<compile_context>
chip_gen: v7x
topology: tpu7x:2x2x1
jax: 0.10.2.dev20260603
libtpu: 0.0.44.dev20260713+nightly
codegen_flags: <defaults>
</compile_context>

<pallas_src>
import functools

import jax
import jax.numpy as jnp
from jax import lax
from jax.experimental import pallas as pl
from jax.experimental.pallas import tpu as pltpu
from jax.experimental.pallas import tpu_sc as plsc

SEQ = 2048
HIDDEN = 64
VOCAB = 512
B = SEQ * SEQ
ROW = 128
NROWS = B // ROW
NW = 32
ROWS_PER_W = NROWS // NW
K = 4
NG = ROWS_PER_W // K
NBUF = 2


def _make_gather():
    mesh = plsc.VectorSubcoreMesh(core_axis_name="c", subcore_axis_name="s")

    @functools.partial(
        pl.kernel,
        mesh=mesh,
        out_type=jax.ShapeDtypeStruct((B, HIDDEN), jnp.float32),
        scratch_types=[
            pltpu.VMEM((K, ROW), jnp.int32),
            pltpu.VMEM((K, ROW), jnp.int32),
            pltpu.VMEM((K * ROW, HIDDEN), jnp.float32),
            pltpu.VMEM((K * ROW, HIDDEN), jnp.float32),
            pltpu.VMEM_SHARED((VOCAB, HIDDEN), jnp.float32),
            pltpu.SemaphoreType.DMA,
            pltpu.SemaphoreType.DMA,
            pltpu.SemaphoreType.DMA,
            pltpu.SemaphoreType.DMA,
            pltpu.SemaphoreType.DMA,
            pltpu.SemaphoreType.DMA,
        ],
        compiler_params=pltpu.CompilerParams(
            use_tc_tiling_on_sc=False, disable_bounds_checks=True),
    )
    def gather_kernel(table_hbm, idx_hbm, out_hbm,
                      idx_v0, idx_v1, rows_v0, rows_v1, table_sp,
                      si0, si1, sg0, sg1, so0, so1):
        idx_bufs = (idx_v0, idx_v1)
        rows_bufs = (rows_v0, rows_v1)
        sem_i = (si0, si1)
        sem_g = (sg0, sg1)
        sem_o = (so0, so1)

        c = lax.axis_index("c")
        s = lax.axis_index("s")
        wid = s * 2 + c
        base_row = wid * ROWS_PER_W

        @pl.when(s == 0)
        def _():
            pltpu.sync_copy(table_hbm, table_sp)

        plsc.subcore_barrier()

        def idx_start(g, p):
            pltpu.async_copy(
                idx_hbm.at[pl.ds(base_row + g * K, K)], idx_bufs[p], sem_i[p])

        def idx_wait(p):
            pltpu.make_async_copy(
                idx_hbm.at[pl.ds(0, K)], idx_bufs[p], sem_i[p]).wait()

        def gather_start(p):
            for j in range(K):
                pltpu.async_copy(
                    table_sp.at[idx_bufs[p].at[j]],
                    rows_bufs[p].at[pl.ds(j * ROW, ROW)],
                    sem_g[p])

        def gather_wait(p):
            for j in range(K):
                pltpu.make_async_copy(
                    table_sp.at[idx_bufs[p].at[j]],
                    rows_bufs[p].at[pl.ds(j * ROW, ROW)],
                    sem_g[p]).wait()

        def out_start(g, p):
            pltpu.async_copy(
                rows_bufs[p],
                out_hbm.at[pl.ds((base_row + g * K) * ROW, K * ROW)],
                sem_o[p])

        def out_wait(g, p):
            pltpu.make_async_copy(
                rows_bufs[p],
                out_hbm.at[pl.ds((base_row + g * K) * ROW, K * ROW)],
                sem_o[p]).wait()

        idx_start(0, 0)
        idx_start(1, 1)
        idx_wait(0)
        gather_start(0)

        def group(g, p):
            @pl.when(g + 1 < NG)
            def _():
                idx_wait(1 - p)

                @pl.when(g >= 1)
                def _():
                    out_wait(g - 1, 1 - p)

                gather_start(1 - p)

            gather_wait(p)
            out_start(g, p)

            @pl.when(g + 2 < NG)
            def _():
                idx_start(g + 2, p)

        def outer(gg, carry):
            for p in range(NBUF):
                group(gg * NBUF + p, p)
            return carry

        lax.fori_loop(0, NG // NBUF, outer, 0)

        out_wait(NG - 2, 0)
        out_wait(NG - 1, 1)

    return gather_kernel


_gather = _make_gather()


def kernel(dist_mat, table):
    idx = dist_mat.astype(jnp.int32).reshape(NROWS, ROW)
    out = _gather(table, idx)
    return out.reshape(SEQ, SEQ, HIDDEN)

# --- scband reference (transcript-rebuilt; emitter-appended) ---
"""Pipeline reference for scband-relative-positional-embedding-67903432950267 (READ-ONLY COPY).

The authoritative reference and input builder live on the scoring server;
editing this copy changes nothing except your own understanding.
"""

import jax, jax.numpy as jnp
import numpy as np

MAX_TIME = 512
HIDDEN = 64
PAD_IDX = 0
SEQ = 2048


def setup_inputs(seed: int = 0) -> dict:
    key = jax.random.key(seed)
    k1, k2 = jax.random.split(key)
    dist_mat = jax.random.randint(k1, (SEQ, SEQ), 0, MAX_TIME)
    # learned embedding table (nn.Embedding weight), padding_idx row zeroed at init
    table = jax.random.normal(k2, (MAX_TIME, HIDDEN), dtype=jnp.float32)
    table = table.at[PAD_IDX].set(0.0)
    return {"dist_mat": dist_mat, "table": table}


def reference(dist_mat, table):
    # RelativePositionalEmbedding with learn=True: nn.Embedding lookup on the
    # relative-distance index matrix -> float32[SEQ, SEQ, HIDDEN]
    return jnp.take(table, dist_mat, axis=0)

if __name__ == "__main__":
    import jax
    _d = setup_inputs()
    print(jax.jit(kernel)(*tuple(_d.values())))

</pallas_src>

<mosaic_0001>
#map = affine_map<(d0, d1) -> (0, 0)>
module attributes {stable_mosaic.version = 14 : i64} {
  func.func @gather_kernel(%arg0: i32, %arg1: i32, %arg2: memref<512x64xf32, #tpu.memory_space<hbm>>, %arg3: memref<32768x128xi32, #tpu.memory_space<hbm>>, %arg4: memref<4194304x64xf32, #tpu.memory_space<hbm>>, %arg5: memref<4x128xi32, #tpu.memory_space<vmem>>, %arg6: memref<4x128xi32, #tpu.memory_space<vmem>>, %arg7: memref<512x64xf32, #tpu.memory_space<vmem>>, %arg8: memref<512x64xf32, #tpu.memory_space<vmem>>, %arg9: memref<512x64xf32, #tpu.memory_space<vmem_shared>>, %arg10: memref<!tpu.dma_semaphore, #tpu.memory_space<semaphore_mem>>, %arg11: memref<!tpu.dma_semaphore, #tpu.memory_space<semaphore_mem>>, %arg12: memref<!tpu.dma_semaphore, #tpu.memory_space<semaphore_mem>>, %arg13: memref<!tpu.dma_semaphore, #tpu.memory_space<semaphore_mem>>, %arg14: memref<!tpu.dma_semaphore, #tpu.memory_space<semaphore_mem>>, %arg15: memref<!tpu.dma_semaphore, #tpu.memory_space<semaphore_mem>>) attributes {dimension_semantics = [#tpu.dimension_semantics<core_parallel>, #tpu.dimension_semantics<subcore_parallel>], iteration_bounds = array<i64: 2, 16>, scalar_prefetch = 0 : i64, scratch_operands = 11 : i64, tpu.core_type = #tpu.core_type<sc_vector_subcore>, window_params = [{transform_indices = #map}, {transform_indices = #map}, {transform_indices = #map}]} {
    %mul3A = arith.constant 2 : i32
    %mul3A_0 = arith.muli %arg1, %mul3A : i32
    %add3A = arith.addi %mul3A_0, %arg0 : i32
    %mul3A_1 = arith.constant 1024 : i32
    %mul3A_2 = arith.muli %add3A, %mul3A_1 : i32
    %eq3A = arith.constant 0 : i32
    %eq3A_3 = arith.cmpi eq, %arg1, %eq3A : i32
    %convert_element_type3A = arith.extui %eq3A_3 : i1 to i32
    %cond3A = arith.constant 0 : i32
    %cond3A_4 = arith.cmpi ne, %convert_element_type3A, %cond3A : i32
    scf.if %cond3A_4 {
      "tpu.region"() ({
        %run_scoped3A = tpu.sem_alloc : memref<!tpu.dma_semaphore, #tpu.memory_space<semaphore_mem>>
        tpu.enqueue_dma source(%arg2 : memref<512x64xf32, #tpu.memory_space<hbm>>) target(%arg9 : memref<512x64xf32, #tpu.memory_space<vmem_shared>>) target_semaphore(%run_scoped3A : memref<!tpu.dma_semaphore, #tpu.memory_space<semaphore_mem>>)
        tpu.wait_dma2 semaphore(%run_scoped3A : memref<!tpu.dma_semaphore, #tpu.memory_space<semaphore_mem>>) src(%arg2 : memref<512x64xf32, #tpu.memory_space<hbm>>) dst(%arg9 : memref<512x64xf32, #tpu.memory_space<vmem_shared>>)
        tpu.yield
      }) : () -> ()
    } else {
    }
    %barrier3A = arith.constant 0 : index
    tpu.barrier barrier_id(%barrier3A)
    %add3A_5 = arith.constant 0 : i32
    %add3A_6 = arith.addi %mul3A_2, %add3A_5 : i32
    %dma_start3A = arith.constant 0 : i32
    %dma_start3A_7 = tpu.memref_slice %arg3[%add3A_6, %dma_start3A] : memref<32768x128xi32, #tpu.memory_space<hbm>> -> memref<4x128xi32, #tpu.memory_space<hbm>>
    %dma_start3A_8 = arith.constant 0 : i32
    %dma_start3A_9 = tpu.memref_slice %arg3[%add3A_6, %dma_start3A_8] : memref<32768x128xi32, #tpu.memory_space<hbm>> -> memref<4x128xi32, #tpu.memory_space<hbm>>
    tpu.enqueue_dma source(%dma_start3A_9 : memref<4x128xi32, #tpu.memory_space<hbm>>) target(%arg5 : memref<4x128xi32, #tpu.memory_space<vmem>>) target_semaphore(%arg10 : memref<!tpu.dma_semaphore, #tpu.memory_space<semaphore_mem>>)
    %add3A_10 = arith.constant 4 : i32
    %add3A_11 = arith.addi %mul3A_2, %add3A_10 : i32
    %dma_start3A_12 = arith.constant 0 : i32
    %dma_start3A_13 = tpu.memref_slice %arg3[%add3A_11, %dma_start3A_12] : memref<32768x128xi32, #tpu.memory_space<hbm>> -> memref<4x128xi32, #tpu.memory_space<hbm>>
    %dma_start3A_14 = arith.constant 0 : i32
    %dma_start3A_15 = tpu.memref_slice %arg3[%add3A_11, %dma_start3A_14] : memref<32768x128xi32, #tpu.memory_space<hbm>> -> memref<4x128xi32, #tpu.memory_space<hbm>>
    tpu.enqueue_dma source(%dma_start3A_15 : memref<4x128xi32, #tpu.memory_space<hbm>>) target(%arg6 : memref<4x128xi32, #tpu.memory_space<vmem>>) target_semaphore(%arg11 : memref<!tpu.dma_semaphore, #tpu.memory_space<semaphore_mem>>)
    %dma_wait3A = arith.constant 0 : i32
    %dma_wait3A_16 = arith.constant 0 : i32
    %dma_wait3A_17 = tpu.memref_slice %arg3[%dma_wait3A, %dma_wait3A_16] : memref<32768x128xi32, #tpu.memory_space<hbm>> -> memref<4x128xi32, #tpu.memory_space<hbm>>
    %dma_wait3A_18 = arith.constant 0 : i32
    %dma_wait3A_19 = arith.constant 0 : i32
    %dma_wait3A_20 = tpu.memref_slice %arg3[%dma_wait3A_18, %dma_wait3A_19] : memref<32768x128xi32, #tpu.memory_space<hbm>> -> memref<4x128xi32, #tpu.memory_space<hbm>>
    tpu.wait_dma2 semaphore(%arg10 : memref<!tpu.dma_semaphore, #tpu.memory_space<semaphore_mem>>) src(%dma_wait3A_20 : memref<4x128xi32, #tpu.memory_space<hbm>>) dst(%arg5 : memref<4x128xi32, #tpu.memory_space<vmem>>)
    %dma_start3A_21 = arith.constant 0 : i32
    %dma_start3A_22 = arith.constant 0 : i32
    %dma_start3A_23 = arith.constant 0 : i32
    %dma_start3A_24 = tpu.memref_slice %arg7[%dma_start3A_22, %dma_start3A_23] : memref<512x64xf32, #tpu.memory_space<vmem>> -> memref<128x64xf32, #tpu.memory_space<vmem>>
    %dma_start3A_25 = arith.constant 0 : i32
    %dma_start3A_26 = tpu.memref_slice %arg5[%dma_start3A_21, %dma_start3A_25] : memref<4x128xi32, #tpu.memory_space<vmem>> -> memref<1x128xi32, #tpu.memory_space<vmem>>
    %dma_start3A_27 = tpu.memref_squeeze %dma_start3A_26 : memref<1x128xi32, #tpu.memory_space<vmem>> -> memref<128xi32, #tpu.memory_space<vmem>>
    %dma_start3A_28 = arith.constant 0 : i32
    %dma_start3A_29 = arith.constant 0 : i32
    %dma_start3A_30 = tpu.memref_slice %arg9[%dma_start3A_28, %dma_start3A_29] : memref<512x64xf32, #tpu.memory_space<vmem_shared>> -> memref<512x64xf32, #tpu.memory_space<vmem_shared>>
    tpu.enqueue_indirect_dma source(%dma_start3A_30 : memref<512x64xf32, #tpu.memory_space<vmem_shared>>) target(%dma_start3A_24 : memref<128x64xf32, #tpu.memory_space<vmem>>) offsets(%dma_start3A_27 : memref<128xi32, #tpu.memory_space<vmem>>) semaphore(%arg12 : memref<!tpu.dma_semaphore, #tpu.memory_space<semaphore_mem>>)
    %dma_start3A_31 = arith.constant 1 : i32
    %dma_start3A_32 = arith.constant 128 : i32
    %dma_start3A_33 = arith.constant 0 : i32
    %dma_start3A_34 = tpu.memref_slice %arg7[%dma_start3A_32, %dma_start3A_33] : memref<512x64xf32, #tpu.memory_space<vmem>> -> memref<128x64xf32, #tpu.memory_space<vmem>>
    %dma_start3A_35 = arith.constant 0 : i32
    %dma_start3A_36 = tpu.memref_slice %arg5[%dma_start3A_31, %dma_start3A_35] : memref<4x128xi32, #tpu.memory_space<vmem>> -> memref<1x128xi32, #tpu.memory_space<vmem>>
    %dma_start3A_37 = tpu.memref_squeeze %dma_start3A_36 : memref<1x128xi32, #tpu.memory_space<vmem>> -> memref<128xi32, #tpu.memory_space<vmem>>
    %dma_start3A_38 = arith.constant 0 : i32
    %dma_start3A_39 = arith.constant 0 : i32
    %dma_start3A_40 = tpu.memref_slice %arg9[%dma_start3A_38, %dma_start3A_39] : memref<512x64xf32, #tpu.memory_space<vmem_shared>> -> memref<512x64xf32, #tpu.memory_space<vmem_shared>>
    tpu.enqueue_indirect_dma source(%dma_start3A_40 : memref<512x64xf32, #tpu.memory_space<vmem_shared>>) target(%dma_start3A_34 : memref<128x64xf32, #tpu.memory_space<vmem>>) offsets(%dma_start3A_37 : memref<128xi32, #tpu.memory_space<vmem>>) semaphore(%arg12 : memref<!tpu.dma_semaphore, #tpu.memory_space<semaphore_mem>>)
    %dma_start3A_41 = arith.constant 2 : i32
    %dma_start3A_42 = arith.constant 256 : i32
    %dma_start3A_43 = arith.constant 0 : i32
    %dma_start3A_44 = tpu.memref_slice %arg7[%dma_start3A_42, %dma_start3A_43] : memref<512x64xf32, #tpu.memory_space<vmem>> -> memref<128x64xf32, #tpu.memory_space<vmem>>
    %dma_start3A_45 = arith.constant 0 : i32
    %dma_start3A_46 = tpu.memref_slice %arg5[%dma_start3A_41, %dma_start3A_45] : memref<4x128xi32, #tpu.memory_space<vmem>> -> memref<1x128xi32, #tpu.memory_space<vmem>>
    %dma_start3A_47 = tpu.memref_squeeze %dma_start3A_46 : memref<1x128xi32, #tpu.memory_space<vmem>> -> memref<128xi32, #tpu.memory_space<vmem>>
    %dma_start3A_48 = arith.constant 0 : i32
    %dma_start3A_49 = arith.constant 0 : i32
    %dma_start3A_50 = tpu.memref_slice %arg9[%dma_start3A_48, %dma_start3A_49] : memref<512x64xf32, #tpu.memory_space<vmem_shared>> -> memref<512x64xf32, #tpu.memory_space<vmem_shared>>
    tpu.enqueue_indirect_dma source(%dma_start3A_50 : memref<512x64xf32, #tpu.memory_space<vmem_shared>>) target(%dma_start3A_44 : memref<128x64xf32, #tpu.memory_space<vmem>>) offsets(%dma_start3A_47 : memref<128xi32, #tpu.memory_space<vmem>>) semaphore(%arg12 : memref<!tpu.dma_semaphore, #tpu.memory_space<semaphore_mem>>)
    %dma_start3A_51 = arith.constant 3 : i32
    %dma_start3A_52 = arith.constant 384 : i32
    %dma_start3A_53 = arith.constant 0 : i32
    %dma_start3A_54 = tpu.memref_slice %arg7[%dma_start3A_52, %dma_start3A_53] : memref<512x64xf32, #tpu.memory_space<vmem>> -> memref<128x64xf32, #tpu.memory_space<vmem>>
    %dma_start3A_55 = arith.constant 0 : i32
    %dma_start3A_56 = tpu.memref_slice %arg5[%dma_start3A_51, %dma_start3A_55] : memref<4x128xi32, #tpu.memory_space<vmem>> -> memref<1x128xi32, #tpu.memory_space<vmem>>
    %dma_start3A_57 = tpu.memref_squeeze %dma_start3A_56 : memref<1x128xi32, #tpu.memory_space<vmem>> -> memref<128xi32, #tpu.memory_space<vmem>>
    %dma_start3A_58 = arith.constant 0 : i32
    %dma_start3A_59 = arith.constant 0 : i32
    %dma_start3A_60 = tpu.memref_slice %arg9[%dma_start3A_58, %dma_start3A_59] : memref<512x64xf32, #tpu.memory_space<vmem_shared>> -> memref<512x64xf32, #tpu.memory_space<vmem_shared>>
    tpu.enqueue_indirect_dma source(%dma_start3A_60 : memref<512x64xf32, #tpu.memory_space<vmem_shared>>) target(%dma_start3A_54 : memref<128x64xf32, #tpu.memory_space<vmem>>) offsets(%dma_start3A_57 : memref<128xi32, #tpu.memory_space<vmem>>) semaphore(%arg12 : memref<!tpu.dma_semaphore, #tpu.memory_space<semaphore_mem>>)
    %scan3A = arith.constant 0 : i32
    %scan3A_61 = arith.constant 0 : i32
    %scan3A_62 = arith.constant 128 : i32
    %scan3A_63 = arith.addi %scan3A_61, %scan3A_62 : i32
    %scan3A_64 = arith.constant 1 : i32
    scf.for %scan3A_82 = %scan3A_61 to %scan3A_63 step %scan3A_64  : i32 {
      %mul3A_83 = arith.constant 2 : i32
      %mul3A_84 = arith.muli %scan3A_82, %mul3A_83 : i32
      %add3A_85 = arith.constant 0 : i32
      %add3A_86 = arith.addi %mul3A_84, %add3A_85 : i32
      %add3A_87 = arith.constant 1 : i32
      %add3A_88 = arith.addi %add3A_86, %add3A_87 : i32
      %lt3A = arith.constant 256 : i32
      %lt3A_89 = arith.cmpi slt, %add3A_88, %lt3A : i32
      %convert_element_type3A_90 = arith.extui %lt3A_89 : i1 to i32
      %cond3A_91 = arith.constant 0 : i32
      %cond3A_92 = arith.cmpi ne, %convert_element_type3A_90, %cond3A_91 : i32
      scf.if %cond3A_92 {
        %dma_wait3A_216 = arith.constant 0 : i32
        %dma_wait3A_217 = arith.constant 0 : i32
        %dma_wait3A_218 = tpu.memref_slice %arg3[%dma_wait3A_216, %dma_wait3A_217] : memref<32768x128xi32, #tpu.memory_space<hbm>> -> memref<4x128xi32, #tpu.memory_space<hbm>>
        %dma_wait3A_219 = arith.constant 0 : i32
        %dma_wait3A_220 = arith.constant 0 : i32
        %dma_wait3A_221 = tpu.memref_slice %arg3[%dma_wait3A_219, %dma_wait3A_220] : memref<32768x128xi32, #tpu.memory_space<hbm>> -> memref<4x128xi32, #tpu.memory_space<hbm>>
        tpu.wait_dma2 semaphore(%arg11 : memref<!tpu.dma_semaphore, #tpu.memory_space<semaphore_mem>>) src(%dma_wait3A_221 : memref<4x128xi32, #tpu.memory_space<hbm>>) dst(%arg6 : memref<4x128xi32, #tpu.memory_space<vmem>>)
        %ge3A = arith.constant 1 : i32
        %ge3A_222 = arith.cmpi sge, %add3A_86, %ge3A : i32
        %convert_element_type3A_223 = arith.extui %ge3A_222 : i1 to i32
        %cond3A_224 = arith.constant 0 : i32
        %cond3A_225 = arith.cmpi ne, %convert_element_type3A_223, %cond3A_224 : i32
        scf.if %cond3A_225 {
          %sub3A = arith.constant 1 : i32
          %sub3A_266 = arith.subi %add3A_86, %sub3A : i32
          %mul3A_267 = arith.constant 4 : i32
          %mul3A_268 = arith.muli %sub3A_266, %mul3A_267 : i32
          %add3A_269 = arith.addi %mul3A_2, %mul3A_268 : i32
          %mul3A_270 = arith.constant 128 : i32
          %mul3A_271 = arith.muli %add3A_269, %mul3A_270 : i32
          %dma_wait3A_272 = arith.constant 0 : i32
          %dma_wait3A_273 = tpu.memref_slice %arg4[%mul3A_271, %dma_wait3A_272] : memref<4194304x64xf32, #tpu.memory_space<hbm>> -> memref<512x64xf32, #tpu.memory_space<hbm>>
          %dma_wait3A_274 = arith.constant 0 : i32
          %dma_wait3A_275 = tpu.memref_slice %arg4[%mul3A_271, %dma_wait3A_274] : memref<4194304x64xf32, #tpu.memory_space<hbm>> -> memref<512x64xf32, #tpu.memory_space<hbm>>
          tpu.wait_dma2 semaphore(%arg15 : memref<!tpu.dma_semaphore, #tpu.memory_space<semaphore_mem>>) src(%arg8 : memref<512x64xf32, #tpu.memory_space<vmem>>) dst(%dma_wait3A_275 : memref<512x64xf32, #tpu.memory_space<hbm>>)
        } else {
        }
        %dma_start3A_226 = arith.constant 0 : i32
        %dma_start3A_227 = arith.constant 0 : i32
        %dma_start3A_228 = arith.constant 0 : i32
        %dma_start3A_229 = tpu.memref_slice %arg8[%dma_start3A_227, %dma_start3A_228] : memref<512x64xf32, #tpu.memory_space<vmem>> -> memref<128x64xf32, #tpu.memory_space<vmem>>
        %dma_start3A_230 = arith.constant 0 : i32
        %dma_start3A_231 = tpu.memref_slice %arg6[%dma_start3A_226, %dma_start3A_230] : memref<4x128xi32, #tpu.memory_space<vmem>> -> memref<1x128xi32, #tpu.memory_space<vmem>>
        %dma_start3A_232 = tpu.memref_squeeze %dma_start3A_231 : memref<1x128xi32, #tpu.memory_space<vmem>> -> memref<128xi32, #tpu.memory_space<vmem>>
        %dma_start3A_233 = arith.constant 0 : i32
        %dma_start3A_234 = arith.constant 0 : i32
        %dma_start3A_235 = tpu.memref_slice %arg9[%dma_start3A_233, %dma_start3A_234] : memref<512x64xf32, #tpu.memory_space<vmem_shared>> -> memref<512x64xf32, #tpu.memory_space<vmem_shared>>
        tpu.enqueue_indirect_dma source(%dma_start3A_235 : memref<512x64xf32, #tpu.memory_space<vmem_shared>>) target(%dma_start3A_229 : memref<128x64xf32, #tpu.memory_space<vmem>>) offsets(%dma_start3A_232 : memref<128xi32, #tpu.memory_space<vmem>>) semaphore(%arg13 : memref<!tpu.dma_semaphore, #tpu.memory_space<semaphore_mem>>)
        %dma_start3A_236 = arith.constant 1 : i32
        %dma_start3A_237 = arith.constant 128 : i32
        %dma_start3A_238 = arith.constant 0 : i32
        %dma_start3A_239 = tpu.memref_slice %arg8[%dma_start3A_237, %dma_start3A_238] : memref<512x64xf32, #tpu.memory_space<vmem>> -> memref<128x64xf32, #tpu.memory_space<vmem>>
        %dma_start3A_240 = arith.constant 0 : i32
        %dma_start3A_241 = tpu.memref_slice %arg6[%dma_start3A_236, %dma_start3A_240] : memref<4x128xi32, #tpu.memory_space<vmem>> -> memref<1x128xi32, #tpu.memory_space<vmem>>
        %dma_start3A_242 = tpu.memref_squeeze %dma_start3A_241 : memref<1x128xi32, #tpu.memory_space<vmem>> -> memref<128xi32, #tpu.memory_space<vmem>>
        %dma_start3A_243 = arith.constant 0 : i32
        %dma_start3A_244 = arith.constant 0 : i32
        %dma_start3A_245 = tpu.memref_slice %arg9[%dma_start3A_243, %dma_start3A_244] : memref<512x64xf32, #tpu.memory_space<vmem_shared>> -> memref<512x64xf32, #tpu.memory_space<vmem_shared>>
        tpu.enqueue_indirect_dma source(%dma_start3A_245 : memref<512x64xf32, #tpu.memory_space<vmem_shared>>) target(%dma_start3A_239 : memref<128x64xf32, #tpu.memory_space<vmem>>) offsets(%dma_start3A_242 : memref<128xi32, #tpu.memory_space<vmem>>) semaphore(%arg13 : memref<!tpu.dma_semaphore, #tpu.memory_space<semaphore_mem>>)
        %dma_start3A_246 = arith.constant 2 : i32
        %dma_start3A_247 = arith.constant 256 : i32
        %dma_start3A_248 = arith.constant 0 : i32
        %dma_start3A_249 = tpu.memref_slice %arg8[%dma_start3A_247, %dma_start3A_248] : memref<512x64xf32, #tpu.memory_space<vmem>> -> memref<128x64xf32, #tpu.memory_space<vmem>>
        %dma_start3A_250 = arith.constant 0 : i32
        %dma_start3A_251 = tpu.memref_slice %arg6[%dma_start3A_246, %dma_start3A_250] : memref<4x128xi32, #tpu.memory_space<vmem>> -> memref<1x128xi32, #tpu.memory_space<vmem>>
        %dma_start3A_252 = tpu.memref_squeeze %dma_start3A_251 : memref<1x128xi32, #tpu.memory_space<vmem>> -> memref<128xi32, #tpu.memory_space<vmem>>
        %dma_start3A_253 = arith.constant 0 : i32
        %dma_start3A_254 = arith.constant 0 : i32
        %dma_start3A_255 = tpu.memref_slice %arg9[%dma_start3A_253, %dma_start3A_254] : memref<512x64xf32, #tpu.memory_space<vmem_shared>> -> memref<512x64xf32, #tpu.memory_space<vmem_shared>>
        tpu.enqueue_indirect_dma source(%dma_start3A_255 : memref<512x64xf32, #tpu.memory_space<vmem_shared>>) target(%dma_start3A_249 : memref<128x64xf32, #tpu.memory_space<vmem>>) offsets(%dma_start3A_252 : memref<128xi32, #tpu.memory_space<vmem>>) semaphore(%arg13 : memref<!tpu.dma_semaphore, #tpu.memory_space<semaphore_mem>>)
        %dma_start3A_256 = arith.constant 3 : i32
        %dma_start3A_257 = arith.constant 384 : i32
        %dma_start3A_258 = arith.constant 0 : i32
        %dma_start3A_259 = tpu.memref_slice %arg8[%dma_start3A_257, %dma_start3A_258] : memref<512x64xf32, #tpu.memory_space<vmem>> -> memref<128x64xf32, #tpu.memory_space<vmem>>
        %dma_start3A_260 = arith.constant 0 : i32
        %dma_start3A_261 = tpu.memref_slice %arg6[%dma_start3A_256, %dma_start3A_260] : memref<4x128xi32, #tpu.memory_space<vmem>> -> memref<1x128xi32, #tpu.memory_space<vmem>>
        %dma_start3A_262 = tpu.memref_squeeze %dma_start3A_261 : memref<1x128xi32, #tpu.memory_space<vmem>> -> memref<128xi32, #tpu.memory_space<vmem>>
        %dma_start3A_263 = arith.constant 0 : i32
        %dma_start3A_264 = arith.constant 0 : i32
        %dma_start3A_265 = tpu.memref_slice %arg9[%dma_start3A_263, %dma_start3A_264] : memref<512x64xf32, #tpu.memory_space<vmem_shared>> -> memref<512x64xf32, #tpu.memory_space<vmem_shared>>
        tpu.enqueue_indirect_dma source(%dma_start3A_265 : memref<512x64xf32, #tpu.memory_space<vmem_shared>>) target(%dma_start3A_259 : memref<128x64xf32, #tpu.memory_space<vmem>>) offsets(%dma_start3A_262 : memref<128xi32, #tpu.memory_space<vmem>>) semaphore(%arg13 : memref<!tpu.dma_semaphore, #tpu.memory_space<semaphore_mem>>)
      } else {
      }
      %dma_wait3A_93 = arith.constant 0 : i32
      %dma_wait3A_94 = arith.constant 0 : i32
      %dma_wait3A_95 = arith.constant 0 : i32
      %dma_wait3A_96 = tpu.memref_slice %arg7[%dma_wait3A_94, %dma_wait3A_95] : memref<512x64xf32, #tpu.memory_space<vmem>> -> memref<128x64xf32, #tpu.memory_space<vmem>>
      %dma_wait3A_97 = arith.constant 0 : i32
      %dma_wait3A_98 = tpu.memref_slice %arg5[%dma_wait3A_93, %dma_wait3A_97] : memref<4x128xi32, #tpu.memory_space<vmem>> -> memref<1x128xi32, #tpu.memory_space<vmem>>
      %dma_wait3A_99 = tpu.memref_squeeze %dma_wait3A_98 : memref<1x128xi32, #tpu.memory_space<vmem>> -> memref<128xi32, #tpu.memory_space<vmem>>
      %dma_wait3A_100 = arith.constant 0 : i32
      %dma_wait3A_101 = arith.constant 0 : i32
      %dma_wait3A_102 = tpu.memref_slice %arg9[%dma_wait3A_100, %dma_wait3A_101] : memref<512x64xf32, #tpu.memory_space<vmem_shared>> -> memref<512x64xf32, #tpu.memory_space<vmem_shared>>
      tpu.wait_indirect_dma semaphore(%arg12 : memref<!tpu.dma_semaphore, #tpu.memory_space<semaphore_mem>>) src(%dma_wait3A_102 : memref<512x64xf32, #tpu.memory_space<vmem_shared>>) dst(%dma_wait3A_96 : memref<128x64xf32, #tpu.memory_space<vmem>>)
      %dma_wait3A_103 = arith.constant 1 : i32
      %dma_wait3A_104 = arith.constant 128 : i32
      %dma_wait3A_105 = arith.constant 0 : i32
      %dma_wait3A_106 = tpu.memref_slice %arg7[%dma_wait3A_104, %dma_wait3A_105] : memref<512x64xf32, #tpu.memory_space<vmem>> -> memref<128x64xf32, #tpu.memory_space<vmem>>
      %dma_wait3A_107 = arith.constant 0 : i32
      %dma_wait3A_108 = tpu.memref_slice %arg5[%dma_wait3A_103, %dma_wait3A_107] : memref<4x128xi32, #tpu.memory_space<vmem>> -> memref<1x128xi32, #tpu.memory_space<vmem>>
      %dma_wait3A_109 = tpu.memref_squeeze %dma_wait3A_108 : memref<1x128xi32, #tpu.memory_space<vmem>> -> memref<128xi32, #tpu.memory_space<vmem>>
      %dma_wait3A_110 = arith.constant 0 : i32
      %dma_wait3A_111 = arith.constant 0 : i32
      %dma_wait3A_112 = tpu.memref_slice %arg9[%dma_wait3A_110, %dma_wait3A_111] : memref<512x64xf32, #tpu.memory_space<vmem_shared>> -> memref<512x64xf32, #tpu.memory_space<vmem_shared>>
      tpu.wait_indirect_dma semaphore(%arg12 : memref<!tpu.dma_semaphore, #tpu.memory_space<semaphore_mem>>) src(%dma_wait3A_112 : memref<512x64xf32, #tpu.memory_space<vmem_shared>>) dst(%dma_wait3A_106 : memref<128x64xf32, #tpu.memory_space<vmem>>)
      %dma_wait3A_113 = arith.constant 2 : i32
      %dma_wait3A_114 = arith.constant 256 : i32
      %dma_wait3A_115 = arith.constant 0 : i32
      %dma_wait3A_116 = tpu.memref_slice %arg7[%dma_wait3A_114, %dma_wait3A_115] : memref<512x64xf32, #tpu.memory_space<vmem>> -> memref<128x64xf32, #tpu.memory_space<vmem>>
      %dma_wait3A_117 = arith.constant 0 : i32
      %dma_wait3A_118 = tpu.memref_slice %arg5[%dma_wait3A_113, %dma_wait3A_117] : memref<4x128xi32, #tpu.memory_space<vmem>> -> memref<1x128xi32, #tpu.memory_space<vmem>>
      %dma_wait3A_119 = tpu.memref_squeeze %dma_wait3A_118 : memref<1x128xi32, #tpu.memory_space<vmem>> -> memref<128xi32, #tpu.memory_space<vmem>>
      %dma_wait3A_120 = arith.constant 0 : i32
      %dma_wait3A_121 = arith.constant 0 : i32
      %dma_wait3A_122 = tpu.memref_slice %arg9[%dma_wait3A_120, %dma_wait3A_121] : memref<512x64xf32, #tpu.memory_space<vmem_shared>> -> memref<512x64xf32, #tpu.memory_space<vmem_shared>>
      tpu.wait_indirect_dma semaphore(%arg12 : memref<!tpu.dma_semaphore, #tpu.memory_space<semaphore_mem>>) src(%dma_wait3A_122 : memref<512x64xf32, #tpu.memory_space<vmem_shared>>) dst(%dma_wait3A_116 : memref<128x64xf32, #tpu.memory_space<vmem>>)
      %dma_wait3A_123 = arith.constant 3 : i32
      %dma_wait3A_124 = arith.constant 384 : i32
      %dma_wait3A_125 = arith.constant 0 : i32
      %dma_wait3A_126 = tpu.memref_slice %arg7[%dma_wait3A_124, %dma_wait3A_125] : memref<512x64xf32, #tpu.memory_space<vmem>> -> memref<128x64xf32, #tpu.memory_space<vmem>>
      %dma_wait3A_127 = arith.constant 0 : i32
      %dma_wait3A_128 = tpu.memref_slice %arg5[%dma_wait3A_123, %dma_wait3A_127] : memref<4x128xi32, #tpu.memory_space<vmem>> -> memref<1x128xi32, #tpu.memory_space<vmem>>
      %dma_wait3A_129 = tpu.memref_squeeze %dma_wait3A_128 : memref<1x128xi32, #tpu.memory_space<vmem>> -> memref<128xi32, #tpu.memory_space<vmem>>
      %dma_wait3A_130 = arith.constant 0 : i32
      %dma_wait3A_131 = arith.constant 0 : i32
      %dma_wait3A_132 = tpu.memref_slice %arg9[%dma_wait3A_130, %dma_wait3A_131] : memref<512x64xf32, #tpu.memory_space<vmem_shared>> -> memref<512x64xf32, #tpu.memory_space<vmem_shared>>
      tpu.wait_indirect_dma semaphore(%arg12 : memref<!tpu.dma_semaphore, #tpu.memory_space<semaphore_mem>>) src(%dma_wait3A_132 : memref<512x64xf32, #tpu.memory_space<vmem_shared>>) dst(%dma_wait3A_126 : memref<128x64xf32, #tpu.memory_space<vmem>>)
      %mul3A_133 = arith.constant 4 : i32
      %mul3A_134 = arith.muli %add3A_86, %mul3A_133 : i32
      %add3A_135 = arith.addi %mul3A_2, %mul3A_134 : i32
      %mul3A_136 = arith.constant 128 : i32
      %mul3A_137 = arith.muli %add3A_135, %mul3A_136 : i32
      %dma_start3A_138 = arith.constant 0 : i32
      %dma_start3A_139 = tpu.memref_slice %arg4[%mul3A_137, %dma_start3A_138] : memref<4194304x64xf32, #tpu.memory_space<hbm>> -> memref<512x64xf32, #tpu.memory_space<hbm>>
      %dma_start3A_140 = arith.constant 0 : i32
      %dma_start3A_141 = tpu.memref_slice %arg4[%mul3A_137, %dma_start3A_140] : memref<4194304x64xf32, #tpu.memory_space<hbm>> -> memref<512x64xf32, #tpu.memory_space<hbm>>
      tpu.enqueue_dma source(%arg7 : memref<512x64xf32, #tpu.memory_space<vmem>>) target(%dma_start3A_141 : memref<512x64xf32, #tpu.memory_space<hbm>>) target_semaphore(%arg14 : memref<!tpu.dma_semaphore, #tpu.memory_space<semaphore_mem>>)
      %add3A_142 = arith.constant 2 : i32
      %add3A_143 = arith.addi %add3A_86, %add3A_142 : i32
      %lt3A_144 = arith.constant 256 : i32
      %lt3A_145 = arith.cmpi slt, %add3A_143, %lt3A_144 : i32
      %convert_element_type3A_146 = arith.extui %lt3A_145 : i1 to i32
      %cond3A_147 = arith.constant 0 : i32
      %cond3A_148 = arith.cmpi ne, %convert_element_type3A_146, %cond3A_147 : i32
      scf.if %cond3A_148 {
        %add3A_216 = arith.constant 2 : i32
        %add3A_217 = arith.addi %add3A_86, %add3A_216 : i32
        %mul3A_218 = arith.constant 4 : i32
        %mul3A_219 = arith.muli %add3A_217, %mul3A_218 : i32
        %add3A_220 = arith.addi %mul3A_2, %mul3A_219 : i32
        %dma_start3A_221 = arith.constant 0 : i32
        %dma_start3A_222 = tpu.memref_slice %arg3[%add3A_220, %dma_start3A_221] : memref<32768x128xi32, #tpu.memory_space<hbm>> -> memref<4x128xi32, #tpu.memory_space<hbm>>
        %dma_start3A_223 = arith.constant 0 : i32
        %dma_start3A_224 = tpu.memref_slice %arg3[%add3A_220, %dma_start3A_223] : memref<32768x128xi32, #tpu.memory_space<hbm>> -> memref<4x128xi32, #tpu.memory_space<hbm>>
        tpu.enqueue_dma source(%dma_start3A_224 : memref<4x128xi32, #tpu.memory_space<hbm>>) target(%arg5 : memref<4x128xi32, #tpu.memory_space<vmem>>) target_semaphore(%arg10 : memref<!tpu.dma_semaphore, #tpu.memory_space<semaphore_mem>>)
      } else {
      }
      %mul3A_149 = arith.constant 2 : i32
      %mul3A_150 = arith.muli %scan3A_82, %mul3A_149 : i32
      %add3A_151 = arith.constant 1 : i32
      %add3A_152 = arith.addi %mul3A_150, %add3A_151 : i32
      %add3A_153 = arith.constant 1 : i32
      %add3A_154 = arith.addi %add3A_152, %add3A_153 : i32
      %lt3A_155 = arith.constant 256 : i32
      %lt3A_156 = arith.cmpi slt, %add3A_154, %lt3A_155 : i32
      %convert_element_type3A_157 = arith.extui %lt3A_156 : i1 to i32
      %cond3A_158 = arith.constant 0 : i32
      %cond3A_159 = arith.cmpi ne, %convert_element_type3A_157, %cond3A_158 : i32
      scf.if %cond3A_159 {
        %dma_wait3A_216 = arith.constant 0 : i32
        %dma_wait3A_217 = arith.constant 0 : i32
        %dma_wait3A_218 = tpu.memref_slice %arg3[%dma_wait3A_216, %dma_wait3A_217] : memref<32768x128xi32, #tpu.memory_space<hbm>> -> memref<4x128xi32, #tpu.memory_space<hbm>>
        %dma_wait3A_219 = arith.constant 0 : i32
        %dma_wait3A_220 = arith.constant 0 : i32
        %dma_wait3A_221 = tpu.memref_slice %arg3[%dma_wait3A_219, %dma_wait3A_220] : memref<32768x128xi32, #tpu.memory_space<hbm>> -> memref<4x128xi32, #tpu.memory_space<hbm>>
        tpu.wait_dma2 semaphore(%arg10 : memref<!tpu.dma_semaphore, #tpu.memory_space<semaphore_mem>>) src(%dma_wait3A_221 : memref<4x128xi32, #tpu.memory_space<hbm>>) dst(%arg5 : memref<4x128xi32, #tpu.memory_space<vmem>>)
        %ge3A = arith.constant 1 : i32
        %ge3A_222 = arith.cmpi sge, %add3A_152, %ge3A : i32
        %convert_element_type3A_223 = arith.extui %ge3A_222 : i1 to i32
        %cond3A_224 = arith.constant 0 : i32
        %cond3A_225 = arith.cmpi ne, %convert_element_type3A_223, %cond3A_224 : i32
        scf.if %cond3A_225 {
          %sub3A = arith.constant 1 : i32
          %sub3A_266 = arith.subi %add3A_152, %sub3A : i32
          %mul3A_267 = arith.constant 4 : i32
          %mul3A_268 = arith.muli %sub3A_266, %mul3A_267 : i32
          %add3A_269 = arith.addi %mul3A_2, %mul3A_268 : i32
          %mul3A_270 = arith.constant 128 : i32
          %mul3A_271 = arith.muli %add3A_269, %mul3A_270 : i32
          %dma_wait3A_272 = arith.constant 0 : i32
          %dma_wait3A_273 = tpu.memref_slice %arg4[%mul3A_271, %dma_wait3A_272] : memref<4194304x64xf32, #tpu.memory_space<hbm>> -> memref<512x64xf32, #tpu.memory_space<hbm>>
          %dma_wait3A_274 = arith.constant 0 : i32
          %dma_wait3A_275 = tpu.memref_slice %arg4[%mul3A_271, %dma_wait3A_274] : memref<4194304x64xf32, #tpu.memory_space<hbm>> -> memref<512x64xf32, #tpu.memory_space<hbm>>
          tpu.wait_dma2 semaphore(%arg14 : memref<!tpu.dma_semaphore, #tpu.memory_space<semaphore_mem>>) src(%arg7 : memref<512x64xf32, #tpu.memory_space<vmem>>) dst(%dma_wait3A_275 : memref<512x64xf32, #tpu.memory_space<hbm>>)
        } else {
        }
        %dma_start3A_226 = arith.constant 0 : i32
        %dma_start3A_227 = arith.constant 0 : i32
        %dma_start3A_228 = arith.constant 0 : i32
        %dma_start3A_229 = tpu.memref_slice %arg7[%dma_start3A_227, %dma_start3A_228] : memref<512x64xf32, #tpu.memory_space<vmem>> -> memref<128x64xf32, #tpu.memory_space<vmem>>
        %dma_start3A_230 = arith.constant 0 : i32
        %dma_start3A_231 = tpu.memref_slice %arg5[%dma_start3A_226, %dma_start3A_230] : memref<4x128xi32, #tpu.memory_space<vmem>> -> memref<1x128xi32, #tpu.memory_space<vmem>>
        %dma_start3A_232 = tpu.memref_squeeze %dma_start3A_231 : memref<1x128xi32, #tpu.memory_space<vmem>> -> memref<128xi32, #tpu.memory_space<vmem>>
        %dma_start3A_233 = arith.constant 0 : i32
        %dma_start3A_234 = arith.constant 0 : i32
        %dma_start3A_235 = tpu.memref_slice %arg9[%dma_start3A_233, %dma_start3A_234] : memref<512x64xf32, #tpu.memory_space<vmem_shared>> -> memref<512x64xf32, #tpu.memory_space<vmem_shared>>
        tpu.enqueue_indirect_dma source(%dma_start3A_235 : memref<512x64xf32, #tpu.memory_space<vmem_shared>>) target(%dma_start3A_229 : memref<128x64xf32, #tpu.memory_space<vmem>>) offsets(%dma_start3A_232 : memref<128xi32, #tpu.memory_space<vmem>>) semaphore(%arg12 : memref<!tpu.dma_semaphore, #tpu.memory_space<semaphore_mem>>)
        %dma_start3A_236 = arith.constant 1 : i32
        %dma_start3A_237 = arith.constant 128 : i32
        %dma_start3A_238 = arith.constant 0 : i32
        %dma_start3A_239 = tpu.memref_slice %arg7[%dma_start3A_237, %dma_start3A_238] : memref<512x64xf32, #tpu.memory_space<vmem>> -> memref<128x64xf32, #tpu.memory_space<vmem>>
        %dma_start3A_240 = arith.constant 0 : i32
        %dma_start3A_241 = tpu.memref_slice %arg5[%dma_start3A_236, %dma_start3A_240] : memref<4x128xi32, #tpu.memory_space<vmem>> -> memref<1x128xi32, #tpu.memory_space<vmem>>
        %dma_start3A_242 = tpu.memref_squeeze %dma_start3A_241 : memref<1x128xi32, #tpu.memory_space<vmem>> -> memref<128xi32, #tpu.memory_space<vmem>>
        %dma_start3A_243 = arith.constant 0 : i32
        %dma_start3A_244 = arith.constant 0 : i32
        %dma_start3A_245 = tpu.memref_slice %arg9[%dma_start3A_243, %dma_start3A_244] : memref<512x64xf32, #tpu.memory_space<vmem_shared>> -> memref<512x64xf32, #tpu.memory_space<vmem_shared>>
        tpu.enqueue_indirect_dma source(%dma_start3A_245 : memref<512x64xf32, #tpu.memory_space<vmem_shared>>) target(%dma_start3A_239 : memref<128x64xf32, #tpu.memory_space<vmem>>) offsets(%dma_start3A_242 : memref<128xi32, #tpu.memory_space<vmem>>) semaphore(%arg12 : memref<!tpu.dma_semaphore, #tpu.memory_space<semaphore_mem>>)
        %dma_start3A_246 = arith.constant 2 : i32
        %dma_start3A_247 = arith.constant 256 : i32
        %dma_start3A_248 = arith.constant 0 : i32
        %dma_start3A_249 = tpu.memref_slice %arg7[%dma_start3A_247, %dma_start3A_248] : memref<512x64xf32, #tpu.memory_space<vmem>> -> memref<128x64xf32, #tpu.memory_space<vmem>>
        %dma_start3A_250 = arith.constant 0 : i32
        %dma_start3A_251 = tpu.memref_slice %arg5[%dma_start3A_246, %dma_start3A_250] : memref<4x128xi32, #tpu.memory_space<vmem>> -> memref<1x128xi32, #tpu.memory_space<vmem>>
        %dma_start3A_252 = tpu.memref_squeeze %dma_start3A_251 : memref<1x128xi32, #tpu.memory_space<vmem>> -> memref<128xi32, #tpu.memory_space<vmem>>
        %dma_start3A_253 = arith.constant 0 : i32
        %dma_start3A_254 = arith.constant 0 : i32
        %dma_start3A_255 = tpu.memref_slice %arg9[%dma_start3A_253, %dma_start3A_254] : memref<512x64xf32, #tpu.memory_space<vmem_shared>> -> memref<512x64xf32, #tpu.memory_space<vmem_shared>>
        tpu.enqueue_indirect_dma source(%dma_start3A_255 : memref<512x64xf32, #tpu.memory_space<vmem_shared>>) target(%dma_start3A_249 : memref<128x64xf32, #tpu.memory_space<vmem>>) offsets(%dma_start3A_252 : memref<128xi32, #tpu.memory_space<vmem>>) semaphore(%arg12 : memref<!tpu.dma_semaphore, #tpu.memory_space<semaphore_mem>>)
        %dma_start3A_256 = arith.constant 3 : i32
        %dma_start3A_257 = arith.constant 384 : i32
        %dma_start3A_258 = arith.constant 0 : i32
        %dma_start3A_259 = tpu.memref_slice %arg7[%dma_start3A_257, %dma_start3A_258] : memref<512x64xf32, #tpu.memory_space<vmem>> -> memref<128x64xf32, #tpu.memory_space<vmem>>
        %dma_start3A_260 = arith.constant 0 : i32
        %dma_start3A_261 = tpu.memref_slice %arg5[%dma_start3A_256, %dma_start3A_260] : memref<4x128xi32, #tpu.memory_space<vmem>> -> memref<1x128xi32, #tpu.memory_space<vmem>>
        %dma_start3A_262 = tpu.memref_squeeze %dma_start3A_261 : memref<1x128xi32, #tpu.memory_space<vmem>> -> memref<128xi32, #tpu.memory_space<vmem>>
        %dma_start3A_263 = arith.constant 0 : i32
        %dma_start3A_264 = arith.constant 0 : i32
        %dma_start3A_265 = tpu.memref_slice %arg9[%dma_start3A_263, %dma_start3A_264] : memref<512x64xf32, #tpu.memory_space<vmem_shared>> -> memref<512x64xf32, #tpu.memory_space<vmem_shared>>
        tpu.enqueue_indirect_dma source(%dma_start3A_265 : memref<512x64xf32, #tpu.memory_space<vmem_shared>>) target(%dma_start3A_259 : memref<128x64xf32, #tpu.memory_space<vmem>>) offsets(%dma_start3A_262 : memref<128xi32, #tpu.memory_space<vmem>>) semaphore(%arg12 : memref<!tpu.dma_semaphore, #tpu.memory_space<semaphore_mem>>)
      } else {
      }
      %dma_wait3A_160 = arith.constant 0 : i32
      %dma_wait3A_161 = arith.constant 0 : i32
      %dma_wait3A_162 = arith.constant 0 : i32
      %dma_wait3A_163 = tpu.memref_slice %arg8[%dma_wait3A_161, %dma_wait3A_162] : memref<512x64xf32, #tpu.memory_space<vmem>> -> memref<128x64xf32, #tpu.memory_space<vmem>>
      %dma_wait3A_164 = arith.constant 0 : i32
      %dma_wait3A_165 = tpu.memref_slice %arg6[%dma_wait3A_160, %dma_wait3A_164] : memref<4x128xi32, #tpu.memory_space<vmem>> -> memref<1x128xi32, #tpu.memory_space<vmem>>
      %dma_wait3A_166 = tpu.memref_squeeze %dma_wait3A_165 : memref<1x128xi32, #tpu.memory_space<vmem>> -> memref<128xi32, #tpu.memory_space<vmem>>
      %dma_wait3A_167 = arith.constant 0 : i32
      %dma_wait3A_168 = arith.constant 0 : i32
      %dma_wait3A_169 = tpu.memref_slice %arg9[%dma_wait3A_167, %dma_wait3A_168] : memref<512x64xf32, #tpu.memory_space<vmem_shared>> -> memref<512x64xf32, #tpu.memory_space<vmem_shared>>
      tpu.wait_indirect_dma semaphore(%arg13 : memref<!tpu.dma_semaphore, #tpu.memory_space<semaphore_mem>>) src(%dma_wait3A_169 : memref<512x64xf32, #tpu.memory_space<vmem_shared>>) dst(%dma_wait3A_163 : memref<128x64xf32, #tpu.memory_space<vmem>>)
      %dma_wait3A_170 = arith.constant 1 : i32
      %dma_wait3A_171 = arith.constant 128 : i32
      %dma_wait3A_172 = arith.constant 0 : i32
      %dma_wait3A_173 = tpu.memref_slice %arg8[%dma_wait3A_171, %dma_wait3A_172] : memref<512x64xf32, #tpu.memory_space<vmem>> -> memref<128x64xf32, #tpu.memory_space<vmem>>
      %dma_wait3A_174 = arith.constant 0 : i32
      %dma_wait3A_175 = tpu.memref_slice %arg6[%dma_wait3A_170, %dma_wait3A_174] : memref<4x128xi32, #tpu.memory_space<vmem>> -> memref<1x128xi32, #tpu.memory_space<vmem>>
      %dma_wait3A_176 = tpu.memref_squeeze %dma_wait3A_175 : memref<1x128xi32, #tpu.memory_space<vmem>> -> memref<128xi32, #tpu.memory_space<vmem>>
      %dma_wait3A_177 = arith.constant 0 : i32
      %dma_wait3A_178 = arith.constant 0 : i32
      %dma_wait3A_179 = tpu.memref_slice %arg9[%dma_wait3A_177, %dma_wait3A_178] : memref<512x64xf32, #tpu.memory_space<vmem_shared>> -> memref<512x64xf32, #tpu.memory_space<vmem_shared>>
      tpu.wait_indirect_dma semaphore(%arg13 : memref<!tpu.dma_semaphore, #tpu.memory_space<semaphore_mem>>) src(%dma_wait3A_179 : memref<512x64xf32, #tpu.memory_space<vmem_shared>>) dst(%dma_wait3A_173 : memref<128x64xf32, #tpu.memory_space<vmem>>)
      %dma_wait3A_180 = arith.constant 2 : i32
      %dma_wait3A_181 = arith.constant 256 : i32
      %dma_wait3A_182 = arith.constant 0 : i32
      %dma_wait3A_183 = tpu.memref_slice %arg8[%dma_wait3A_181, %dma_wait3A_182] : memref<512x64xf32, #tpu.memory_space<vmem>> -> memref<128x64xf32, #tpu.memory_space<vmem>>
      %dma_wait3A_184 = arith.constant 0 : i32
      %dma_wait3A_185 = tpu.memref_slice %arg6[%dma_wait3A_180, %dma_wait3A_184] : memref<4x128xi32, #tpu.memory_space<vmem>> -> memref<1x128xi32, #tpu.memory_space<vmem>>
      %dma_wait3A_186 = tpu.memref_squeeze %dma_wait3A_185 : memref<1x128xi32, #tpu.memory_space<vmem>> -> memref<128xi32, #tpu.memory_space<vmem>>
      %dma_wait3A_187 = arith.constant 0 : i32
      %dma_wait3A_188 = arith.constant 0 : i32
      %dma_wait3A_189 = tpu.memref_slice %arg9[%dma_wait3A_187, %dma_wait3A_188] : memref<512x64xf32, #tpu.memory_space<vmem_shared>> -> memref<512x64xf32, #tpu.memory_space<vmem_shared>>
      tpu.wait_indirect_dma semaphore(%arg13 : memref<!tpu.dma_semaphore, #tpu.memory_space<semaphore_mem>>) src(%dma_wait3A_189 : memref<512x64xf32, #tpu.memory_space<vmem_shared>>) dst(%dma_wait3A_183 : memref<128x64xf32, #tpu.memory_space<vmem>>)
      %dma_wait3A_190 = arith.constant 3 : i32
      %dma_wait3A_191 = arith.constant 384 : i32
      %dma_wait3A_192 = arith.constant 0 : i32
      %dma_wait3A_193 = tpu.memref_slice %arg8[%dma_wait3A_191, %dma_wait3A_192] : memref<512x64xf32, #tpu.memory_space<vmem>> -> memref<128x64xf32, #tpu.memory_space<vmem>>
      %dma_wait3A_194 = arith.constant 0 : i32
      %dma_wait3A_195 = tpu.memref_slice %arg6[%dma_wait3A_190, %dma_wait3A_194] : memref<4x128xi32, #tpu.memory_space<vmem>> -> memref<1x128xi32, #tpu.memory_space<vmem>>
      %dma_wait3A_196 = tpu.memref_squeeze %dma_wait3A_195 : memref<1x128xi32, #tpu.memory_space<vmem>> -> memref<128xi32, #tpu.memory_space<vmem>>
      %dma_wait3A_197 = arith.constant 0 : i32
      %dma_wait3A_198 = arith.constant 0 : i32
      %dma_wait3A_199 = tpu.memref_slice %arg9[%dma_wait3A_197, %dma_wait3A_198] : memref<512x64xf32, #tpu.memory_space<vmem_shared>> -> memref<512x64xf32, #tpu.memory_space<vmem_shared>>
      tpu.wait_indirect_dma semaphore(%arg13 : memref<!tpu.dma_semaphore, #tpu.memory_space<semaphore_mem>>) src(%dma_wait3A_199 : memref<512x64xf32, #tpu.memory_space<vmem_shared>>) dst(%dma_wait3A_193 : memref<128x64xf32, #tpu.memory_space<vmem>>)
      %mul3A_200 = arith.constant 4 : i32
      %mul3A_201 = arith.muli %add3A_152, %mul3A_200 : i32
      %add3A_202 = arith.addi %mul3A_2, %mul3A_201 : i32
      %mul3A_203 = arith.constant 128 : i32
      %mul3A_204 = arith.muli %add3A_202, %mul3A_203 : i32
      %dma_start3A_205 = arith.constant 0 : i32
      %dma_start3A_206 = tpu.memref_slice %arg4[%mul3A_204, %dma_start3A_205] : memref<4194304x64xf32, #tpu.memory_space<hbm>> -> memref<512x64xf32, #tpu.memory_space<hbm>>
      %dma_start3A_207 = arith.constant 0 : i32
      %dma_start3A_208 = tpu.memref_slice %arg4[%mul3A_204, %dma_start3A_207] : memref<4194304x64xf32, #tpu.memory_space<hbm>> -> memref<512x64xf32, #tpu.memory_space<hbm>>
      tpu.enqueue_dma source(%arg8 : memref<512x64xf32, #tpu.memory_space<vmem>>) target(%dma_start3A_208 : memref<512x64xf32, #tpu.memory_space<hbm>>) target_semaphore(%arg15 : memref<!tpu.dma_semaphore, #tpu.memory_space<semaphore_mem>>)
      %add3A_209 = arith.constant 2 : i32
      %add3A_210 = arith.addi %add3A_152, %add3A_209 : i32
      %lt3A_211 = arith.constant 256 : i32
      %lt3A_212 = arith.cmpi slt, %add3A_210, %lt3A_211 : i32
      %convert_element_type3A_213 = arith.extui %lt3A_212 : i1 to i32
      %cond3A_214 = arith.constant 0 : i32
      %cond3A_215 = arith.cmpi ne, %convert_element_type3A_213, %cond3A_214 : i32
      scf.if %cond3A_215 {
        %add3A_216 = arith.constant 2 : i32
        %add3A_217 = arith.addi %add3A_152, %add3A_216 : i32
        %mul3A_218 = arith.constant 4 : i32
        %mul3A_219 = arith.muli %add3A_217, %mul3A_218 : i32
        %add3A_220 = arith.addi %mul3A_2, %mul3A_219 : i32
        %dma_start3A_221 = arith.constant 0 : i32
        %dma_start3A_222 = tpu.memref_slice %arg3[%add3A_220, %dma_start3A_221] : memref<32768x128xi32, #tpu.memory_space<hbm>> -> memref<4x128xi32, #tpu.memory_space<hbm>>
        %dma_start3A_223 = arith.constant 0 : i32
        %dma_start3A_224 = tpu.memref_slice %arg3[%add3A_220, %dma_start3A_223] : memref<32768x128xi32, #tpu.memory_space<hbm>> -> memref<4x128xi32, #tpu.memory_space<hbm>>
        tpu.enqueue_dma source(%dma_start3A_224 : memref<4x128xi32, #tpu.memory_space<hbm>>) target(%arg6 : memref<4x128xi32, #tpu.memory_space<vmem>>) target_semaphore(%arg11 : memref<!tpu.dma_semaphore, #tpu.memory_space<semaphore_mem>>)
      } else {
      }
    }
    %scan3A_65 = arith.constant 128 : i32
    %add3A_66 = arith.constant 1016 : i32
    %add3A_67 = arith.addi %mul3A_2, %add3A_66 : i32
    %mul3A_68 = arith.constant 128 : i32
    %mul3A_69 = arith.muli %add3A_67, %mul3A_68 : i32
    %dma_wait3A_70 = arith.constant 0 : i32
    %dma_wait3A_71 = tpu.memref_slice %arg4[%mul3A_69, %dma_wait3A_70] : memref<4194304x64xf32, #tpu.memory_space<hbm>> -> memref<512x64xf32, #tpu.memory_space<hbm>>
    %dma_wait3A_72 = arith.constant 0 : i32
    %dma_wait3A_73 = tpu.memref_slice %arg4[%mul3A_69, %dma_wait3A_72] : memref<4194304x64xf32, #tpu.memory_space<hbm>> -> memref<512x64xf32, #tpu.memory_space<hbm>>
    tpu.wait_dma2 semaphore(%arg14 : memref<!tpu.dma_semaphore, #tpu.memory_space<semaphore_mem>>) src(%arg7 : memref<512x64xf32, #tpu.memory_space<vmem>>) dst(%dma_wait3A_73 : memref<512x64xf32, #tpu.memory_space<hbm>>)
    %add3A_74 = arith.constant 1020 : i32
    %add3A_75 = arith.addi %mul3A_2, %add3A_74 : i32
    %mul3A_76 = arith.constant 128 : i32
    %mul3A_77 = arith.muli %add3A_75, %mul3A_76 : i32
    %dma_wait3A_78 = arith.constant 0 : i32
    %dma_wait3A_79 = tpu.memref_slice %arg4[%mul3A_77, %dma_wait3A_78] : memref<4194304x64xf32, #tpu.memory_space<hbm>> -> memref<512x64xf32, #tpu.memory_space<hbm>>
    %dma_wait3A_80 = arith.constant 0 : i32
    %dma_wait3A_81 = tpu.memref_slice %arg4[%mul3A_77, %dma_wait3A_80] : memref<4194304x64xf32, #tpu.memory_space<hbm>> -> memref<512x64xf32, #tpu.memory_space<hbm>>
    tpu.wait_dma2 semaphore(%arg15 : memref<!tpu.dma_semaphore, #tpu.memory_space<semaphore_mem>>) src(%arg8 : memref<512x64xf32, #tpu.memory_space<vmem>>) dst(%dma_wait3A_81 : memref<512x64xf32, #tpu.memory_space<hbm>>)
    return
  }
}

</mosaic_0001>

<sc_bundles>
// kernel: kernel.3.cloned.1.call-start
scs
__scs_entry_jumppad:
0x0: {  	(pc) =	sbr.rel $0x88, $3  }
0x1: {  	(tag) =	ssettag $0x0;
	lr =	simm.s32 $0x1  }
0x2: {  	[smem:$0x3F9F] =	sst lr;
	_ =	strace $0xD0000000  }
0x3: {  	_ = 	snop  }
0x4: {  	_ = 	snop  }
0x5: {  	_ = 	snop  }
0x6: {  	_ = 	snop  }
0x7: {  	_ = 	snop  }
__scs_overlays_trampoline_lowered:
0x8: {  	[smem:$0x3FAE] =	sst s0  }
0x9: {  	[smem:$0x3FAF] =	sst s1  }
0xa: {  	[smem:$0x3FB0] =	sst s2  }
0xb: {  	[smem:$0x3FB1] =	sst s3  }
0xc: {  	[smem:$0x3FB2] =	sst s4  }
0xd: {  	[smem:$0x3FB3] =	sst s5  }
0xe: {  	[smem:$0x3FB4] =	sst s6  }
0xf: {  	[smem:$0x3FB5] =	sst s7  }
0x10: {  	[smem:$0x3FB6] =	sst s8  }
0x11: {  	[smem:$0x3FB7] =	sst s9;
	s0 =	simm.s32 @!p0 $0x0  }
0x12: {  	s1 =	sld [smem:$0x3F9D];
	s0 =	simm.s32 @p0 $0x1  }
0x13: {  	[smem:$0x3FB8] =	sst s0;
	s0 =	simm.s32 @!p1 $0x0  }
0x14: {  	s2 =	sld [smem:$0x3F9C];
	s0 =	simm.s32 @p1 $0x1  }
0x15: {  	[smem:$0x3FB9] =	sst s0;
	s0 =	simm.s32 @!p2 $0x0  }
0x16: {  	s3 =	sld [smem:$0x3FDB];
	s0 =	simm.s32 @p2 $0x1  }
0x17: {  	s4 =	simm.s32 $0x1BF5;
	[smem:$0x3FBB] =	sst s0  }
0x18: {  	s0 =	sld [smem:$0x3F9E];
	_ =	swait.ge [sflag:s4], $0x0  }
0x19: {  	s7 =	sld [smem:$0x3F9F]  }
0x1a: {  	s8 =	sadd.s32 $0xFFFFE003, lr  }
0x1b: {  	s9 =	sadd.s32 $0xFFFFFEF7, lr;
	s5 =	simm.s32 $0xFFFFFFFF;
	p2 =	slt.u32 s8, $0xFFFFF086  }
0x1c: {  	p1 =	slt.u32 s9, $0xF7A;
	s5 =	simm.s32 @!p2 $0x0  }
0x1d: {  	s5 =	simm.s32 @p1 $0x1;
	p0 =	seq.s32 s7, s2  }
0x1e: {  	s7 =	smul.u32 @!p0 $0xF7A, s2;
	p2 =	seq.s32 @!p0 s5, $0x0  }
0x1f: {  	s9 =	smul.u32 $0xF7A, s1;
	s8 =	simm.s32 @!p0 $0x1BF5;
	p2 =	por !p2, p0  }
0x20: {  	[sflag:s8] =	ssyncset.s32 @!p0 $0xFFFFF086;
	s6 =	sadd.s32 @!p0 s3, s7;
	s7 =	simm.s32 @!p0 $0x108  }
0x21: {  	s3 =	sadd.s32 s3, s9;
	s6 =	sadd.s32 @!p0 $0x88, s6;
	s7 =	simm.s32 @p2 $0x1082  }
0x22: {  	[simem:s7], [sflag:s8] =	dma.local @!p0 [hbm:s6], $0xF7A  }
0x23: {  	s9 =	sor.u32 $0xD0000000, s2;
	s6 =	simm.s32 $0x108;
	_ =	swait.ge @!p0 [sflag:s8], $0x0  }
0x24: {  	s3 =	sadd.s32 $0x88, s3;
	s6 =	simm.s32 @!p1 $0x1082;
	[sflag:s4] =	ssyncset.s32 $0xFFFFF086  }
0x25: {  	[simem:s6], [sflag:s4] =	dma.local [hbm:s3], $0xF7A  }
0x26: {  	[smem:$0x3F9F] =	sst s1;
	(tag) =	ssettag s2;
	_ =	strace s9  }
0x27: {  	s1 =	sld [smem:$0x3FAF]  }
0x28: {  	s2 =	sld [smem:$0x3FB0]  }
0x29: {  	s4 =	sld [smem:$0x3FB2]  }
0x2a: {  	p0 =	seq.s32 s5, $0x0;
	s5 =	sld [smem:$0x3FB3]  }
0x2b: {  	s6 =	sld [smem:$0x3FB4]  }
0x2c: {  	s7 =	sld [smem:$0x3FB5]  }
0x2d: {  	s3 =	simm.s32 $0x108;
	s8 =	sld [smem:$0x3FB6]  }
0x2e: {  	s3 =	simm.s32 @!p0 $0x1082;
	s9 =	sld [smem:$0x3FB7]  }
0x2f: {  	lr =	sadd.s32 s0, s3;
	s0 =	sld [smem:$0x3FAE]  }
0x30: {  	s3 =	sld [smem:$0x3FB1]  }
0x31: {  	[smem:$0x3FBA] =	sst s10  }
0x32: {  	s10 =	sld [smem:$0x3FB8];
	_ =	sdelay $0x3  }
0x33: {  	p0 =	seq.s32 s10, $0x1;
	s10 =	sld [smem:$0x3FBA];
	_ =	sdelay $0x3  }
0x34: {  	[smem:$0x3FBA] =	sst s10  }
0x35: {  	s10 =	sld [smem:$0x3FB9];
	_ =	sdelay $0x3  }
0x36: {  	p1 =	seq.s32 s10, $0x1;
	s10 =	sld [smem:$0x3FBA];
	_ =	sdelay $0x3  }
0x37: {  	[smem:$0x3FBA] =	sst s10  }
0x38: {  	s10 =	sld [smem:$0x3FBB]  }
0x39: {  	_ = 	snop;
	(pc) =	sbr.ind lr, $3  }
0x3a: {  	_ = 	snop  }
0x3b: {  	_ = 	snop  }
0x3c: {  	p2 =	seq.s32 s10, $0x1;
	s10 =	sld [smem:$0x3FBA]  }
0x3d: {  	_ =	shalt  }
0x3e: {  	_ =	shalt  }
0x3f: {  	_ =	shalt  }
0x40: {  	_ =	shalt  }
0x41: {  	_ =	shalt  }
0x42: {  	_ =	shalt  }
0x43: {  	_ =	shalt  }
0x44: {  	_ =	shalt  }
0x45: {  	_ =	shalt  }
0x46: {  	_ =	shalt  }
0x47: {  	_ =	shalt  }
0x48: {  	_ =	shalt  }
0x49: {  	_ =	shalt  }
0x4a: {  	_ =	shalt  }
0x4b: {  	_ =	shalt  }
0x4c: {  	_ =	shalt  }
0x4d: {  	_ =	shalt  }
0x4e: {  	_ =	shalt  }
0x4f: {  	_ =	shalt  }
0x50: {  	_ =	shalt  }
0x51: {  	_ =	shalt  }
0x52: {  	_ =	shalt  }
0x53: {  	_ =	shalt  }
0x54: {  	_ =	shalt  }
0x55: {  	_ =	shalt  }
0x56: {  	_ =	shalt  }
0x57: {  	_ =	shalt  }
0x58: {  	_ =	shalt  }
0x59: {  	_ =	shalt  }
0x5a: {  	_ =	shalt  }
0x5b: {  	_ =	shalt  }
0x5c: {  	_ =	shalt  }
0x5d: {  	_ =	shalt  }
0x5e: {  	_ =	shalt  }
0x5f: {  	_ =	shalt  }
0x60: {  	_ =	shalt  }
0x61: {  	_ =	shalt  }
0x62: {  	_ =	shalt  }
0x63: {  	_ =	shalt  }
0x64: {  	_ =	shalt  }
0x65: {  	_ =	shalt  }
0x66: {  	_ =	shalt  }
0x67: {  	_ =	shalt  }
0x68: {  	_ =	shalt  }
0x69: {  	_ =	shalt  }
0x6a: {  	_ =	shalt  }
0x6b: {  	_ =	shalt  }
0x6c: {  	_ =	shalt  }
0x6d: {  	_ =	shalt  }
0x6e: {  	_ =	shalt  }
0x6f: {  	_ =	shalt  }
0x70: {  	_ =	shalt  }
0x71: {  	_ =	shalt  }
0x72: {  	_ =	shalt  }
0x73: {  	_ =	shalt  }
0x74: {  	_ =	shalt  }
0x75: {  	_ =	shalt  }
0x76: {  	_ =	shalt  }
0x77: {  	_ =	shalt  }
0x78: {  	_ =	shalt  }
0x79: {  	_ =	shalt  }
0x7a: {  	_ =	shalt  }
0x7b: {  	_ =	shalt  }
0x7c: {  	_ =	shalt  }
0x7d: {  	_ =	shalt  }
0x7e: {  	_ =	shalt  }
0x7f: {  	_ =	shalt  }
0x80: {  	_ =	shalt  }
0x81: {  	_ =	shalt  }
0x82: {  	_ =	shalt  }
0x83: {  	_ =	shalt  }
0x84: {  	_ =	shalt  }
0x85: {  	_ =	shalt  }
0x86: {  	_ =	shalt  }
0x87: {  	_ =	shalt  }
.Lfunc_end0:
.L_simem_size_0:
called_computation.1_lowered:
.L_overlay_start_0:
0x88: {  	s2 =	sld [smem:$0x3FD9]  }
0x89: {  	s3 =	sld [smem:$0x3FFE];
	_ =	sdelay $0x1  }
0x8a: {  	s1 =	srdreg.scid  }
0x8b: {  	s0 =	sand.u32 $0x1, s1  }
0x8c: {  	s17 =	sshll.u32 s0, $0xA;
	s2 =	sadd.s32 s3, s2  }
0x8d: {  	s2 =	sadd.s32 s2, s17  }
0x8e: {  	[smem:$0x3FC6] =	sst s2  }
0x8f: {  	_ = 	snop  }
0x90: {  	s2 =	sld [smem:$0x3FD0];
	(tm) =	ssettm $0x1  }
0x91: {  	s18 =	sld [smem:$0x3FFB];
	_ =	sdelay $0x3  }
0x92: {  	_ =	strace s18  }
0x93: {  	s3 =	sld [smem:$0x3FFC];
	_ =	sdelay $0x3  }
0x94: {  	_ =	strace s3  }
0x95: {  	s3 =	sld [smem:$0x3FFD];
	_ =	sdelay $0x3  }
0x96: {  	_ =	strace s3  }
0x97: {  	_ =	strace $0x8FFFFFFF  }
0x98: {  	s19 =	sld [smem:$0x3FDB];
	_ =	sdelay $0x1  }
0x99: {  	s4 =	simm.s32 $_scs_section_size  }
0x9a: {  	s5 =	simm.s32 $_size__tile_overlayer_lowered;
	s6 =	simm.s32 $_tile_overlayer_lowered  }
0x9b: {  	s22 =	simm.s32 $0x1BFF;
	s21 =	sshll.u32 s6, $0x1;
	s3 =	sadd.s32 s4, s19  }
0x9c: {  	s7 =	simm.s32 $0x0;
	s20 =	sshll.u32 s5, $0x1;
	s5 =	sadd.s32 s21, s3  }
0x9d: {  	[timem:s7], [sflag:s22] =	dma.local [hbm:s5], s20  }
0x9e: {  	_ =	swait.ge [sflag:s22], s20  }
0x9f: {  	s4 =	ssub.s32 $0x0, s20;
	[sflag:s22] =	ssyncset.done $0x0  }
0xa0: {  	[sflag:s22] =	ssyncadd.s32 s4;
	_ =	sdelay $0x1  }
0xa1: {  	s23 =	simm.s32 $0x1B8B  }
0xa2: {  	_ =	swait.ge [sflag:s23], $0x1  }
0xa3: {  	[sflag:s23] =	ssyncset.done $0x0  }
0xa4: {  	s25 =	simm.s32 $0x1B8E;
	s24 =	sld [smem:$0x3FFE];
	[sflag:s23] =	ssyncadd.s32 $0xFFFFFFFF  }
0xa5: {  	s26 =	simm.s32 $execute0_lowered;
	[smem:$0x3FD2] =	sst s25  }
0xa6: {  	s5 =	sshll.u32 s26, $0x1;
	_ =	strace $0x80000046;
	[dreg:$0x1] =	wrdreg $0xFFFFFFFF  }
0xa7: {  	s28 =	simm.s32 $_size_execute0_lowered;
	s3 =	sadd.s32 s3, s5;
	[dreg:$0x0] =	wrdreg $0x0  }
0xa8: {  	s5 =	sshll.u32 s28, $0x1;
	[dreg:$0x2] =	wrdreg s3  }
0xa9: {  	[dreg:$0x3] =	wrdreg s5  }
0xaa: {  	[dreg:$0x4] =	wrdreg $0xC0  }
0xab: {  	_ =	task [dreg:s7], $0x5FFFF  }
0xac: {  	[dreg:$0x1] =	wrdreg $0xFFFFFFFF  }
0xad: {  	[dreg:$0x0] =	wrdreg $0x60  }
0xae: {  	[dreg:$0x2] =	wrdreg s24  }
0xaf: {  	[dreg:$0x3] =	wrdreg s2  }
0xb0: {  	[dreg:$0x4] =	wrdreg $0x104000  }
0xb1: {  	[dreg:$0x5] =	wrdreg $0x9  }
0xb2: {  	_ =	task.clear_ibuf [dreg:s7], $0x6FFFF;
	_ =	strace $0x90000046  }
0xb3: {  	s29 =	simm.s32 $0x9;
	_ =	strace $0x80000048  }
0xb4: {  	_ =	swait.ge [sflag:s29], $0x1  }
0xb5: {  	[sflag:s29] =	ssyncadd.s32 $0xFFFFFFFF  }
0xb6: {  	_ =	strace $0x90000048  }
0xb7: {  	_ =	sfence  }
0xb8: {  	s30 =	sld [smem:$0x0];
	_ =	sdelay $0x2  }
0xb9: {  	s31 =	sshll.u32 s1, $0xD;
	s1 =	sshrl.u32 s1, $0x2  }
0xba: {  	s3 =	sand.u32 $0x4000, s31;
	s1 =	sadd.s32 s1, s30  }
0xbb: {  	s0 =	sor.u32 s3, s0;
	s1 =	sshll.u32 s1, $0x11  }
0xbc: {  	s0 =	sor.u32 s1, s0  }
0xbd: {  	s0 =	sadd.s32 $0x8F2B, s0  }
0xbe: {  	[sflag:s0] =	ssyncadd.remote.s32 $0x1  }
0xbf: {  	_ =	sfence.sel $0xFFFF  }
0xc0: {  	[dreg:$0x0] =	wrdreg $0xFFFFFFFF;
	(pc) =	sbr.abs _section_cstart, $3  }
0xc1: {  	[dreg:$0x1] =	wrdreg $0xFFFFFFFF  }
0xc2: {  	_ =	task.clear_ibuf [dreg:s7], $0x2FFFF;
	_ =	strace $0x9FFFFFFF  }
0xc3: {  	(tm) =	ssettm $0x7FFFFFFF  }
tec
execute0_lowered:
.L_overlay_start_1:
0x0: {  	(tag) =	ssettag $0x1  }
0x1: {  	s0 =	rddreg [dreg:$0x0]  }
0x2: {  	s7 =	rddreg [dreg:$0x1]  }
0x3: {  	s1 =	rddreg [dreg:$0x2]  }
0x4: {  	s2 =	simm.s32 $0x0;
	s3 =	srdreg.scid;
	s8 =	stileid.u32  }
0x5: {  	s13 =	simm.s32 $0x400;
	s19 =	simm.s32 $0x2;
	s20 =	simm.s32 $0x8400  }
0x6: {  	s21 =	simm.s32 $0x280;
	s28 =	simm.s32 $0x3;
	s29 =	simm.s32 $0x4  }
0x7: {  	s30 =	simm.s32 $0x5;
	s31 =	simm.s32 $0x6;
	[smem:$0x7FF] =	sst s2  }
0x8: {  	s9 =	sand.u32 $0x1, s3;
	s10 =	sshll.u32 s8, $0xF;
	s12 =	sadd.s32 $0x1800, s0  }
0x9: {  	s0 =	sadd.s32 $0x800, s0;
	s23 =	sshll.u32 s8, $0x15;
	p0 =	sne.s32 s8, $0x0  }
0xa: {  	_ =	strace $0x80000047;
	s4 =	ssub.s32 $0x2, s9;
	s11 =	sshll.u32 s9, $0xE  }
0xb: {  	[dreg:$0x4] =	wrdreg s0;
	s0 =	sadd.s32 s23, s7;
	s24 =	sshll.u32 s9, $0x14  }
0xc: {  	s25 =	sadd.s32 s10, s12;
	s9 =	sshrl.u32 @!p0 s1, $0x3;
	s23 =	simm.s32 $0x300  }
0xd: {  	s5 =	sshrl.u32 s4, $0x1;
	s6 =	sor.u32 s11, s10;
	s7 =	sadd.s32 s24, s0  }
.Ltmp0:
0xe: {  	s26 =	sadd.s32 s11, s25;
	s10 =	simm.s32 $0x200;
	(pc) =	sbr.rel .LBB2_1-.Ltmp0, $4  }
0xf: {  	s11 =	simm.s32 $0x1;
	s24 =	simm.s32 $0xC400;
	s25 =	simm.s32 $0x380  }
0x10: {  	s0 =	simm.s32 $0x0;
	s22 =	ssub.s32 s4, s5;
	s4 =	sadd.s32 s12, s6  }
0x11: {  	s14 =	sadd.s32 $0xC0, s26;
	s12 =	simm.s32 $0x80;
	s26 =	simm.s32 $0xE400  }
0x12: {  	s5 =	sadd.s32 $0x40, s4;
	s6 =	smax.u32 s22, $0x1;
	s22 =	simm.s32 $0xA400  }
.LBB2_4:
0x13: {  	s0 =	sadd.s32 $0x1, s0  }
0x14: {  	_ =	swait.ge [sflag:s30], $0x8000;
	p1 =	sne.s32 s0, s6  }
.Ltmp1:
0x15: {  	[sflag:s30] =	ssyncset.done $0x0;
	(pc) =	sbr.rel @!p1 .LBB2_5-.Ltmp1, $4  }
0x16: {  	[sflag:s30] =	ssyncadd.s32 $0xFFFF8000  }
0x17: {  	_ =	swait.ge [sflag:s31], $0x8000  }
0x18: {  	[sflag:s31] =	ssyncset.done $0x0  }
0x19: {  	[sflag:s31] =	ssyncadd.s32 $0xFFFF8000  }
.LBB2_1:
0x1a: {  	s8 =	simm.s32 @!p0 $0x1C07;
	s3 =	rddreg [dreg:$0x4]  }
0x1b: {  	[spmem:s9], [sflag:s8] =	dma.local @!p0 [hbm:s3], $0x1000  }
0x1c: {  	s8 =	simm.s32 @!p0 $0x7  }
0x1d: {  	_ =	swait.ge @!p0 [sflag:s8], $0x1000  }
0x1e: {  	[sflag:s8] =	ssyncset.done @!p0 $0x0  }
0x1f: {  	[sflag:s8] =	ssyncadd.s32 @!p0 $0xFFFFF000  }
0x20: {  	[bflag:$0x0] =	sbarrier.arrive $0xFFFF  }
0x21: {  	[tilespmem:s2], [sflag:$0x1] =	stream.linear.gather [hbm4b:s4+s2], $0x200, $0x38;
	[tilespmem:$0x10C00] =	vst v63  }
0x22: {  	_ = 	snop  }
0x23: {  	[tilespmem:s10], [sflag:$0x2] =	stream.linear.gather [hbm4b:s5+s2], $0x200, $0x38;
	[tilespmem:$0x10C00] =	vst v63  }
0x24: {  	_ =	swait.ge [sflag:s11], $0x200  }
0x25: {  	[sflag:s11] =	ssyncset.done $0x0  }
0x26: {  	[sflag:s11] =	ssyncadd.s32 $0xFFFFFE00  }
0x27: {  	[tilespmem:s13], [sflag:$0x3] =	stream.indirect.gather [spmem:s1], $0x40, s2, s12, $0xb8;
	[tilespmem:$0x10C00] =	vst v63  }
0x28: {  	s8 =	simm.s32 $0x2400  }
0x29: {  	[tilespmem:s8], [sflag:$0x3] =	stream.indirect.gather [spmem:s1], $0x40, s12, s12, $0xb8;
	[tilespmem:$0x10C00] =	vst v63  }
0x2a: {  	s15 =	simm.s32 $0x100;
	s16 =	simm.s32 $0x4400;
	s17 =	simm.s32 $0x180  }
0x2b: {  	[tilespmem:s16], [sflag:$0x3] =	stream.indirect.gather [spmem:s1], $0x40, s15, s12, $0xb8;
	[tilespmem:$0x10C00] =	vst v63  }
0x2c: {  	s18 =	simm.s32 $0x6400;
	s8 =	smov.u32 s14;
	s15 =	simm.s32 $0x0  }
0x2d: {  	[tilespmem:s18], [sflag:$0x3] =	stream.indirect.gather [spmem:s1], $0x40, s17, s12, $0xb8;
	[tilespmem:$0x10C00] =	vst v63  }
.LBB2_2:
0x2e: {  	_ =	swait.ge [sflag:s19], $0x200  }
0x2f: {  	p1 =	seq.s32 s15, $0x0;
	[sflag:s19] =	ssyncset.done $0x0  }
0x30: {  	s16 =	simm.s32 @!p1 $0x6;
	[sflag:s19] =	ssyncadd.s32 $0xFFFFFE00  }
0x31: {  	_ =	swait.ge @!p1 [sflag:s16], $0x8000  }
0x32: {  	[sflag:s16] =	ssyncset.done @!p1 $0x0  }
0x33: {  	[sflag:s16] =	ssyncadd.s32 @!p1 $0xFFFF8000  }
0x34: {  	[tilespmem:s20], [sflag:$0x4] =	stream.indirect.gather [spmem:s1], $0x40, s10, s12, $0xb8;
	[tilespmem:$0x10C00] =	vst v63  }
0x35: {  	_ = 	snop  }
0x36: {  	[tilespmem:s22], [sflag:$0x4] =	stream.indirect.gather [spmem:s1], $0x40, s21, s12, $0xb8;
	[tilespmem:$0x10C00] =	vst v63  }
0x37: {  	_ = 	snop  }
0x38: {  	[tilespmem:s24], [sflag:$0x4] =	stream.indirect.gather [spmem:s1], $0x40, s23, s12, $0xb8;
	[tilespmem:$0x10C00] =	vst v63  }
0x39: {  	_ = 	snop  }
0x3a: {  	[tilespmem:s26], [sflag:$0x4] =	stream.indirect.gather [spmem:s1], $0x40, s25, s12, $0xb8;
	[tilespmem:$0x10C00] =	vst v63  }
0x3b: {  	_ =	swait.ge [sflag:s28], $0x2000  }
0x3c: {  	[sflag:s28] =	ssyncset.done $0x0  }
0x3d: {  	[sflag:s28] =	ssyncadd.s32 $0xFFFFE000  }
0x3e: {  	_ =	swait.ge [sflag:s28], $0x2000  }
0x3f: {  	[sflag:s28] =	ssyncset.done $0x0  }
0x40: {  	[sflag:s28] =	ssyncadd.s32 $0xFFFFE000  }
0x41: {  	_ =	swait.ge [sflag:s28], $0x2000  }
0x42: {  	[sflag:s28] =	ssyncset.done $0x0  }
0x43: {  	[sflag:s28] =	ssyncadd.s32 $0xFFFFE000  }
0x44: {  	_ =	swait.ge [sflag:s28], $0x2000  }
0x45: {  	[sflag:s28] =	ssyncset.done $0x0  }
0x46: {  	s16 =	sadd.s32 s15, s7;
	p1 =	seq.s32 s15, $0xFE000;
	[sflag:s28] =	ssyncadd.s32 $0xFFFFE000  }
0x47: {  	[hbm4b:s16+s2] =	stream.linear.scatter [tilespmem:s13], [sflag:$0x5], $0x8000, $0x38;
	[tilespmem:$0x10C00] =	vst v63  }
0x48: {  	s17 =	sadd.s32 @!p1 $0xFFFFFFC0, s8;
	s18 =	simm.s32 @!p1 $0x0  }
0x49: {  	[tilespmem:s18], [sflag:$0x1] =	stream.linear.gather @!p1 [hbm4b:s17+s18], $0x200, $0x38;
	[tilespmem:$0x10C00] =	vst v63  }
0x4a: {  	s17 =	simm.s32 @!p1 $0x1  }
0x4b: {  	_ =	swait.ge @!p1 [sflag:s17], $0x200  }
0x4c: {  	[sflag:s17] =	ssyncset.done @!p1 $0x0  }
0x4d: {  	[sflag:s17] =	ssyncadd.s32 @!p1 $0xFFFFFE00;
	s17 =	simm.s32 @!p1 $0x5  }
0x4e: {  	_ =	swait.ge @!p1 [sflag:s17], $0x8000  }
0x4f: {  	[sflag:s17] =	ssyncset.done @!p1 $0x0  }
0x50: {  	s3 =	simm.s32 @!p1 $0x400;
	[sflag:s17] =	ssyncadd.s32 @!p1 $0xFFFF8000;
	s17 =	simm.s32 @!p1 $0x80  }
0x51: {  	[tilespmem:s3], [sflag:$0x3] =	stream.indirect.gather @!p1 [spmem:s1], $0x40, s18, s17, $0xb8;
	[tilespmem:$0x10C00] =	vst v63  }
0x52: {  	s3 =	simm.s32 @!p1 $0x2400  }
0x53: {  	[tilespmem:s3], [sflag:$0x3] =	stream.indirect.gather @!p1 [spmem:s1], $0x40, s17, s17, $0xb8;
	[tilespmem:$0x10C00] =	vst v63  }
0x54: {  	s18 =	simm.s32 @!p1 $0x4400;
	s3 =	simm.s32 @!p1 $0x100  }
0x55: {  	[tilespmem:s18], [sflag:$0x3] =	stream.indirect.gather @!p1 [spmem:s1], $0x40, s3, s17, $0xb8;
	[tilespmem:$0x10C00] =	vst v63  }
0x56: {  	s3 =	simm.s32 @!p1 $0x180;
	s18 =	simm.s32 @!p1 $0x6400  }
0x57: {  	[tilespmem:s18], [sflag:$0x3] =	stream.indirect.gather @!p1 [spmem:s1], $0x40, s3, s17, $0xb8;
	[tilespmem:$0x10C00] =	vst v63  }
0x58: {  	_ =	swait.ge [sflag:s29], $0x2000  }
0x59: {  	[sflag:s29] =	ssyncset.done $0x0  }
0x5a: {  	[sflag:s29] =	ssyncadd.s32 $0xFFFFE000  }
0x5b: {  	_ =	swait.ge [sflag:s29], $0x2000  }
0x5c: {  	[sflag:s29] =	ssyncset.done $0x0  }
0x5d: {  	[sflag:s29] =	ssyncadd.s32 $0xFFFFE000  }
0x5e: {  	_ =	swait.ge [sflag:s29], $0x2000  }
0x5f: {  	[sflag:s29] =	ssyncset.done $0x0  }
.Ltmp2:
0x60: {  	[sflag:s29] =	ssyncadd.s32 $0xFFFFE000;
	(pc) =	sbr.rel @p1 .LBB2_4-.Ltmp2, $4  }
0x61: {  	_ =	swait.ge [sflag:s29], $0x2000  }
0x62: {  	[sflag:s29] =	ssyncset.done $0x0  }
0x63: {  	s18 =	sadd.s32 $0x1000, s16;
	[sflag:s29] =	ssyncadd.s32 $0xFFFFE000  }
0x64: {  	[hbm4b:s18+s2] =	stream.linear.scatter [tilespmem:s20], [sflag:$0x6], $0x8000, $0x38;
	[tilespmem:$0x10C00] =	vst v63  }
.Ltmp3:
0x65: {  	(pc) =	sbr.rel .LBB2_2-.Ltmp3, $3  }
0x66: {  	_ =	sdelay $0x1  }
0x67: {  	[tilespmem:s10], [sflag:$0x2] =	stream.linear.gather [hbm4b:s8+s2], $0x200, $0x38;
	[tilespmem:$0x10C00] =	vst v63  }
0x68: {  	s15 =	sadd.s32 $0x2000, s15;
	s8 =	sadd.s32 $0x80, s8  }
.LBB2_5:
0x69: {  	_ =	sfence.sel $0x180000  }
0x6a: {  	[bflag:$0x0] =	sbarrier.arrive $0xFFFF  }
0x6b: {  	_ =	strace $0x90000047  }
0x6c: {  	[bflag:$0x2] =	sbarrier.arrive $0xFFFF  }
0x6d: {  	s0 =	rddreg [dreg:$0x3]  }
0x6e: {  	s0 =	sadd.s32 @!p0 $0x100000, s0  }
0x6f: {  	[sflag:s0] =	ssyncadd.tile.s32 @!p0 $0x1;
	_ =	shalt  }
.Lfunc_end2:
_tile_overlayer_lowered:
.L_overlay_start_2:
0x70: {  	(tag) =	ssettag $0x2  }
0x71: {  	s0 =	rddreg [dreg:$0x0];
	s2 =	stileid.u32  }
0x72: {  	s1 =	rddreg [dreg:$0x1];
	p0 =	sne.s32 s2, $0x0  }
0x73: {  	s3 =	rddreg [dreg:$0x2];
	[bflag:$0x3] =	sbarrier.arrive $0xFFFF;
	s2 =	simm.s32 @!p0 $0x1C07  }
0x74: {  	[timem:s3], [sflag:s2] =	dma.local @!p0 [hbm:s0], s1  }
0x75: {  	s0 =	simm.s32 @!p0 $0x7  }
0x76: {  	_ =	swait.ge @!p0 [sflag:s0], s1  }
0x77: {  	s1 =	ssub.s32 @!p0 $0x0, s1;
	[sflag:s0] =	ssyncset.done @!p0 $0x0  }
0x78: {  	[sflag:s0] =	ssyncadd.s32 @!p0 s1  }
0x79: {  	[bflag:$0x3] =	sbarrier.arrive $0xFFFF  }
0x7a: {  	_ =	shalt  }

// kernel: sparse-core-data-format-call.cloned.1.call-start
scs
called_computation_lowered:
.L_overlay_start_0:
0x0: {  	s2 =	sld [smem:$0x3FD9]  }
0x1: {  	s3 =	sld [smem:$0x3FFE];
	_ =	sdelay $0x1  }
0x2: {  	s1 =	srdreg.scid  }
0x3: {  	s0 =	sand.u32 $0x1, s1  }
0x4: {  	s18 =	sshll.u32 s0, $0xA;
	s2 =	sadd.s32 s3, s2  }
0x5: {  	s2 =	sadd.s32 s2, s18  }
0x6: {  	[smem:$0x3FC6] =	sst s2  }
0x7: {  	_ = 	snop  }
0x8: {  	s2 =	sld [smem:$0x3FD0];
	(tm) =	ssettm $0x1  }
0x9: {  	s19 =	sld [smem:$0x3FFB];
	_ =	sdelay $0x3  }
0xa: {  	_ =	strace s19  }
0xb: {  	s3 =	sld [smem:$0x3FFC];
	_ =	sdelay $0x3  }
0xc: {  	_ =	strace s3  }
0xd: {  	s3 =	sld [smem:$0x3FFD];
	_ =	sdelay $0x3  }
0xe: {  	_ =	strace s3  }
0xf: {  	_ =	strace $0x8FFFFFFF  }
0x10: {  	s20 =	sld [smem:$0x3FDB];
	_ =	sdelay $0x1  }
0x11: {  	s4 =	simm.s32 $_scs_section_size  }
0x12: {  	s5 =	simm.s32 $_size__tile_overlayer_lowered;
	s6 =	simm.s32 $_tile_overlayer_lowered  }
0x13: {  	s23 =	simm.s32 $0x1BFF;
	s22 =	sshll.u32 s6, $0x1;
	s3 =	sadd.s32 s4, s20  }
0x14: {  	s7 =	simm.s32 $0x0;
	s21 =	sshll.u32 s5, $0x1;
	s5 =	sadd.s32 s22, s3  }
0x15: {  	[timem:s7], [sflag:s23] =	dma.local [hbm:s5], s21  }
0x16: {  	_ =	swait.ge [sflag:s23], s21  }
0x17: {  	s4 =	ssub.s32 $0x0, s21;
	[sflag:s23] =	ssyncset.done $0x0  }
0x18: {  	[sflag:s23] =	ssyncadd.s32 s4;
	_ =	sdelay $0x1  }
0x19: {  	s24 =	simm.s32 $0x1B8B  }
0x1a: {  	_ =	swait.ge [sflag:s24], $0x1  }
0x1b: {  	[sflag:s24] =	ssyncset.done $0x0  }
0x1c: {  	s26 =	simm.s32 $0x1B8E;
	s25 =	sld [smem:$0x3FFE];
	[sflag:s24] =	ssyncadd.s32 $0xFFFFFFFF  }
0x1d: {  	s27 =	simm.s32 $execute0_lowered;
	[smem:$0x3FD2] =	sst s26  }
0x1e: {  	s5 =	sshll.u32 s27, $0x1;
	_ =	strace $0x80000049;
	[dreg:$0x1] =	wrdreg $0xFFFFFFFF  }
0x1f: {  	s28 =	simm.s32 $_size_execute0_lowered;
	s3 =	sadd.s32 s3, s5;
	[dreg:$0x0] =	wrdreg $0x0  }
0x20: {  	s5 =	sshll.u32 s28, $0x1;
	[dreg:$0x2] =	wrdreg s3  }
0x21: {  	[dreg:$0x3] =	wrdreg s5  }
0x22: {  	[dreg:$0x4] =	wrdreg $0xC0  }
0x23: {  	_ =	task [dreg:s7], $0x5FFFF  }
0x24: {  	[dreg:$0x1] =	wrdreg $0xFFFFFFFF  }
0x25: {  	[dreg:$0x0] =	wrdreg $0x60  }
0x26: {  	[dreg:$0x2] =	wrdreg s25  }
0x27: {  	[dreg:$0x3] =	wrdreg s2  }
0x28: {  	[dreg:$0x4] =	wrdreg $0x9  }
0x29: {  	_ =	task.clear_ibuf [dreg:s7], $0x5FFFF;
	_ =	strace $0x90000049  }
0x2a: {  	s29 =	simm.s32 $0x9;
	_ =	strace $0x8000004B  }
0x2b: {  	_ =	swait.ge [sflag:s29], $0x1  }
0x2c: {  	[sflag:s29] =	ssyncadd.s32 $0xFFFFFFFF  }
0x2d: {  	_ =	strace $0x9000004B  }
0x2e: {  	_ =	sfence  }
0x2f: {  	s30 =	sld [smem:$0x0];
	_ =	sdelay $0x2  }
0x30: {  	s31 =	sshll.u32 s1, $0xD;
	s1 =	sshrl.u32 s1, $0x2  }
0x31: {  	s3 =	sand.u32 $0x4000, s31;
	s1 =	sadd.s32 s1, s30  }
0x32: {  	s0 =	sor.u32 s3, s0;
	s1 =	sshll.u32 s1, $0x11  }
0x33: {  	s0 =	sor.u32 s1, s0  }
0x34: {  	s0 =	sadd.s32 $0x8F2B, s0  }
0x35: {  	[sflag:s0] =	ssyncadd.remote.s32 $0x1  }
0x36: {  	_ =	sfence.sel $0xFFFF  }
0x37: {  	[dreg:$0x0] =	wrdreg $0xFFFFFFFF;
	(pc) =	sbr.abs _section_cstart, $3  }
0x38: {  	[dreg:$0x1] =	wrdreg $0xFFFFFFFF  }
0x39: {  	_ =	task.clear_ibuf [dreg:s7], $0x2FFFF;
	_ =	strace $0x9FFFFFFF  }
0x3a: {  	(tm) =	ssettm $0x7FFFFFFF  }
0x3b: {  	_ =	shalt  }
tec
execute0_lowered:
.L_overlay_start_1:
0x0: {  	(tag) =	ssettag $0x1  }
0x1: {  	s0 =	srdreg.scid  }
0x2: {  	s7 =	rddreg [dreg:$0x0];
	s1 =	sshll.u32 s0, $0x4  }
0x3: {  	s3 =	rddreg [dreg:$0x1];
	s0 =	stileid.u32;
	s1 =	sand.u32 $0x10, s1  }
0x4: {  	s6 =	simm.s32 $0x1;
	s31 =	simm.s32 $0x2;
	s1 =	sor.u32 s0, s1  }
0x5: {  	s13 =	simm.s32 $0x0;
	s9 =	simm.s32 $0x4000;
	s2 =	sshll.u32 s1, $0x1  }
0x6: {  	s14 =	simm.s32 $0x0;
	s10 =	simm.s32 $0x0;
	s4 =	ssub.s32 $0x800, s2  }
0x7: {  	s12 =	simm.s32 $0x0;
	s1 =	rddreg [dreg:$0x2];
	s5 =	sand.u32 $0x3E, s4  }
.Ltmp0:
0x8: {  	_ =	strace $0x8000004A;
	p0 =	sne.s32 s5, $0x0;
	(pc) =	sbr.rel .LBB1_1-.Ltmp0, $4  }
0x9: {  	s11 =	smov.u32 s2;
	s8 =	sshrl.u32 s4, $0x6;
	s6 =	simm.s32 @!p0 $0x0  }
0xa: {  	s4 =	sadd.s32 $0x800, s7;
	s5 =	simm.s32 $0x1;
	s6 =	sadd.s32 s6, s8  }
0xb: {  	s7 =	sadd.s32 $0x8800, s7;
	[sflag:s5] =	ssyncpa.u1 $0x0;
	s6 =	sshll.u32 s6, $0x4  }
0xc: {  	p0 =	por $0x0, $0x0;
	[sflag:s31] =	ssyncpa.u1 $0x0;
	s8 =	sor.u32 $0x1, s6  }
.LBB1_7:
0xd: {  	s15 =	sadd.s32 $0x80, s10  }
0xe: {  	s13 =	sadd.s32 $0x40, s11;
	s17 =	smov.u32 s11;
	p2 =	sgt.s32 s15, $0x7FF  }
0xf: {  	s17 =	smov.u32 @p2 s13  }
0x10: {  	s15 =	simm.s32 @p2 $0x0;
	p2 =	sgt.s32 s17, $0x7FF  }
0x11: {  	s17 =	smov.u32 @p2 s2;
	p2 =	sne.s32 s12, s8  }
.Ltmp1:
0x12: {  	p1 =	slt.u32 s12, $0x2;
	(pc) =	sbr.rel @!p2 .LBB1_8-.Ltmp1, $4  }
0x13: {  	s16 =	simm.s32 @!p1 $0x2  }
0x14: {  	s14 =	smov.u32 s11;
	p0 =	por !p0, !p0;
	_ =	swait.ge @!p1 [sflag:s16], $0x4000  }
0x15: {  	s13 =	smov.u32 s10;
	[sflag:s16] =	ssyncset.done @!p1 $0x0;
	s10 =	smov.u32 s15  }
0x16: {  	s12 =	sadd.s32 $0x1, s12;
	[sflag:s16] =	ssyncadd.s32 @!p1 $0xFFFFC000;
	s11 =	smov.u32 s17  }
.LBB1_1:
0x17: {  	p1 =	sge.u32 s12, s6  }
0x18: {  	s15 =	sxor.u32 @!p1 $0xFFFFFFFF, s12;
	s16 =	sshll.u32 @!p1 s11, $0xF  }
0x19: {  	s17 =	sshll.u32 @!p1 s10, $0x4;
	s19 =	simm.s32 @!p1 $0x40;
	s20 =	simm.s32 @!p1 $0x80  }
0x1a: {  	s15 =	sshll.u32 @!p1 s15, $0xE;
	s17 =	sand.u32 @!p1 $0x7FF0, s17;
	s18 =	sadd.s32 @!p1 s4, s16  }
0x1b: {  	s16 =	sadd.s32 @!p1 s16, s7;
	s15 =	sand.u32 @!p1 $0x4000, s15;
	s18 =	sadd.s32 @!p1 s17, s18  }
0x1c: {  	[tilespmem:s15], [sflag:$0x1] =	stream.strided.gather @!p1 [hbm4b:s18+s19], $0x2000, s20, s19, $0x38;
	[tilespmem:$0x10100] =	vst v63  }
0x1d: {  	s31 =	sadd.s32 $0xFFFFFFFF, s12;
	s16 =	sadd.s32 @!p1 s17, s16;
	s15 =	sor.u32 @!p1 $0x2000, s15  }
0x1e: {  	[tilespmem:s15], [sflag:$0x1] =	stream.strided.gather @!p1 [hbm4b:s16+s19], $0x2000, s20, s19, $0x38;
	[tilespmem:$0x10100] =	vst v63  }
0x1f: {  	p1 =	sge.u32 s31, s6  }
.Ltmp2:
0x20: {  	_ = 	snop;
	(pc) =	sbr.rel @p1 .LBB1_7-.Ltmp2, $1  }
0x21: {  	_ =	sdelay $0x3  }
0x22: {  	s15 =	simm.s32 $0x1;
	s17 =	sand.u32 $0x1, s12  }
0x23: {  	_ =	swait.ge [sflag:s5], $0x4000;
	s15 =	simm.s32 @!p0 $0x0;
	s17 =	smul.u32 $0x10200, s17  }
0x24: {  	p2 =	por $0x1, $0x1;
	[sflag:s5] =	ssyncset.done $0x0;
	s16 =	smul.u32 $0x10200, s15  }
0x25: {  	s18 =	sshll.u32 s15, $0x10;
	[sflag:s5] =	ssyncadd.s32 $0xFFFFC000;
	s30 =	sshrl.u32 s17, $0x2  }
0x26: {  	s31 =	sshrl.u32 s18, $0x2;
	s18 =	simm.s32 $0x0;
	s16 =	sshrl.u32 s16, $0x2  }
0x27: {  	s15 =	sor.u32 $0x8000, s30;
	s17 =	sadd.s32 $0x20, s31;
	s16 =	sor.u32 $0x8000, s16  }
.LBB1_3:
0x28: {  	s19 =	sshll.u32 s18, $0xD  }
0x29: {  	s19 =	sand.u32 $0x3FFFE000, s19  }
0x2a: {  	s21 =	sadd.s32 s19, s17  }
0x2b: {  	s31 =	smul.u32 $0x8100, s18;
	v3 =	vld [tilespmem:s21+$0x10]  }
0x2c: {  	v1 =	vld [tilespmem:s21+$0xFFFFFFF0]  }
0x2d: {  	s18 =	sshra.s32 s31, $0x2;
	v0 =	vld [tilespmem:s21+$0x0]  }
0x2e: {  	s18 =	sadd.s32 s18, s16;
	v2 =	vld [tilespmem:s21+$0xFFFFFFE0]  }
0x2f: {  	s19 =	sadd.s32 $0x0, s18  }
0x30: {  	p1 =	por p2, p2;
	s20 =	simm.s32 $0x4;
	s21 =	sadd.s32 $0x40, s21;
	[tilespmem:s19+$0x1830 ss:$0x81] =	vst.msk $0xffff, v3  }
.LBB1_4:
0x31: {  	v3 =	vld [tilespmem:s21+$0x10];
	p2 =	sne.s32 s20, $0x1FC;
	[tilespmem:s19+$0x810 ss:$0x81] =	vst.msk $0xffff, v1;
	s22 =	smov.u32 s20;
	s20 =	sadd.s32 $0x4, s20  }
.Ltmp3:
0x32: {  	v1 =	vld [tilespmem:s21+$0xFFFFFFF0];
	[tilespmem:s19+$0x1020 ss:$0x81] =	vst.msk $0xffff, v0;
	(pc) =	sbr.rel @p2 .LBB1_4-.Ltmp3, $4  }
0x33: {  	v0 =	vld [tilespmem:s21+$0x0];
	[tilespmem:s19+$0x0 ss:$0x81] =	vst.msk $0xffff, v2  }
0x34: {  	s19 =	sshra.s32 s22, $0x2;
	v2 =	vld [tilespmem:s21+$0xFFFFFFE0]  }
0x35: {  	s19 =	sadd.s32 s19, s18  }
0x36: {  	s21 =	sadd.s32 $0x40, s21;
	[tilespmem:s19+$0x1830 ss:$0x81] =	vst.msk $0xffff, v3  }
.Ltmp4:
0x37: {  	(pc) =	sbr.rel @p1 .LBB1_3-.Ltmp4, $4  }
0x38: {  	_ = 	snop  }
0x39: {  	[tilespmem:s19+$0x810 ss:$0x81] =	vst.msk $0xffff, v1  }
0x3a: {  	[tilespmem:s19+$0x1020 ss:$0x81] =	vst.msk $0xffff, v0  }
0x3b: {  	s18 =	simm.s32 $0x1;
	p2 =	por $0x0, $0x0;
	[tilespmem:s19+$0x0 ss:$0x81] =	vst.msk $0xffff, v2  }
0x3c: {  	s16 =	sshll.u32 s13, $0x3;
	s17 =	sand.u32 $0x78, s13;
	s14 =	sshll.u32 s14, $0xE  }
.Ltmp5:
0x3d: {  	s30 =	sand.u32 $0x3F00, s13;
	s16 =	sand.u32 $0x400, s16;
	(pc) =	sbr.rel .LBB1_7-.Ltmp5, $4  }
0x3e: {  	s31 =	sand.u32 $0x7, s13;
	s14 =	sadd.s32 s3, s14;
	s16 =	sor.u32 s17, s16  }
0x3f: {  	s13 =	sshll.u32 s31, $0x12;
	s14 =	sadd.s32 s30, s14;
	s16 =	sshrl.u32 s16, $0x3  }
0x40: {  	s13 =	sor.u32 $0x400, s13;
	s14 =	sadd.s32 s16, s14  }
0x41: {  	[hbm4b:s14+s13] =	stream.strided.scatter [tilespmem:s15], [sflag:$0x2], $0x4000, s9, s13, $0x20;
	[tilespmem:$0x10100] =	vst v63  }
.LBB1_8:
0x42: {  	_ =	sfence.sel $0x180000  }
0x43: {  	s2 =	simm.s32 $0x1;
	[bflag:$0x0] =	sbarrier.arrive $0xFFFF  }
0x44: {  	s31 =	simm.s32 $0x2;
	[sflag:s2] =	ssyncpa.u1 $0x1  }
0x45: {  	[sflag:s31] =	ssyncpa.u1 $0x1  }
0x46: {  	p0 =	sne.s32 s0, $0x0;
	_ =	strace $0x9000004A  }
0x47: {  	s0 =	sadd.s32 @!p0 $0x100000, s1;
	[bflag:$0x2] =	sbarrier.arrive $0xFFFF  }
0x48: {  	[sflag:s0] =	ssyncadd.tile.s32 @!p0 $0x1;
	_ =	shalt  }
.Lfunc_end1:
_tile_overlayer_lowered:
.L_overlay_start_2:
0x49: {  	(tag) =	ssettag $0x2  }
0x4a: {  	s0 =	rddreg [dreg:$0x0];
	s2 =	stileid.u32  }
0x4b: {  	s1 =	rddreg [dreg:$0x1];
	p0 =	sne.s32 s2, $0x0  }
0x4c: {  	s3 =	rddreg [dreg:$0x2];
	[bflag:$0x3] =	sbarrier.arrive $0xFFFF;
	s2 =	simm.s32 @!p0 $0x1C01  }
0x4d: {  	[timem:s3], [sflag:s2] =	dma.local @!p0 [hbm:s0], s1  }
0x4e: {  	s0 =	simm.s32 @!p0 $0x1  }
0x4f: {  	_ =	swait.ge @!p0 [sflag:s0], s1  }
0x50: {  	s1 =	ssub.s32 @!p0 $0x0, s1;
	[sflag:s0] =	ssyncset.done @!p0 $0x0  }
0x51: {  	[sflag:s0] =	ssyncadd.s32 @!p0 s1  }
0x52: {  	[bflag:$0x3] =	sbarrier.arrive $0xFFFF  }
0x53: {  	_ =	shalt  }

</sc_bundles>
